<compile_context>
chip_gen: v7x
topology: tpu7x:2x2x1
jax: 0.10.2.dev20260603
libtpu: 0.0.44.dev20260713+nightly
codegen_flags: <defaults>
</compile_context>

<pallas_src>
import functools

import jax
import jax.numpy as jnp
from jax import lax
from jax.experimental import pallas as pl
from jax.experimental.pallas import tpu as pltpu
from jax.experimental.pallas import tpu_sc as plsc

N = 10000
E = 320000
D = 128
G = 64

NC = 2
NS = 16
NW = NC * NS
CHUNK = 128
EPW = 10240
KCH = EPW // CHUNK
EP = NW * EPW
PAD = EP - E
NACC = 10240
ZB = NACC // NS
DRAIN = NACC // NS

NSEG = 2
KS = KCH // NSEG

BN = 2000
NB = N // BN


def _mesh():
    return plsc.VectorSubcoreMesh(core_axis_name="c", subcore_axis_name="s")


def _sc_degree(dstp):
    ones_pay = jnp.ones((NW * CHUNK, D), jnp.float32)
    zer = jnp.zeros((NC * NACC, D), jnp.float32)
    kf = 8

    @functools.partial(
        pl.kernel,
        out_type=jax.ShapeDtypeStruct((NC * NACC, D), jnp.float32),
        mesh=_mesh(),
        scratch_types=[
            pltpu.VMEM((KCH, CHUNK), jnp.int32),
            pltpu.VMEM((CHUNK, D), jnp.float32),
            pltpu.VMEM_SHARED((NACC, D), jnp.float32),
            pltpu.SemaphoreType.DMA,
        ],
    )
    def k(dst_hbm, ones_hbm, z_hbm, out_hbm, dstv, onesv, acc, sem):
        cid = lax.axis_index("c")
        sid = lax.axis_index("s")
        wid = sid * NC + cid
        pltpu.sync_copy(z_hbm.at[pl.ds(cid * NACC + sid * ZB, ZB)],
                        acc.at[pl.ds(sid * ZB, ZB)])
        pltpu.sync_copy(dst_hbm.at[wid], dstv)
        pltpu.sync_copy(ones_hbm.at[pl.ds(wid * CHUNK, CHUNK)], onesv)
        plsc.subcore_barrier()

        @pl.loop(0, KCH // kf)
        def _(b):
            @pl.loop(0, kf)
            def _(i):
                pltpu.async_copy(onesv, acc.at[dstv.at[b * kf + i]], add=True,
                                 sem=sem)

            @pl.loop(0, kf)
            def _(i):
                pltpu.make_async_copy(onesv, acc.at[dstv.at[0]], sem).wait()

        plsc.subcore_barrier()
        pltpu.sync_copy(
            acc.at[pl.ds(sid * DRAIN, DRAIN)],
            out_hbm.at[pl.ds(cid * NACC + sid * DRAIN, DRAIN)],
        )

    return k(dstp, ones_pay, zer)


def _sc_edge_pass(hs, srcp, dstp):
    zer = jnp.zeros((NC * NACC, D), jnp.float32)

    @functools.partial(
        pl.kernel,
        out_type=jax.ShapeDtypeStruct((NC * NACC, D), jnp.float32),
        mesh=_mesh(),
        scratch_types=[
            pltpu.VMEM((KS, CHUNK), jnp.int32),
            pltpu.VMEM((KS, CHUNK), jnp.int32),
            pltpu.VMEM((CHUNK, D), jnp.float32),
            pltpu.VMEM((CHUNK, D), jnp.float32),
            pltpu.VMEM_SHARED((NACC, D), jnp.float32),
            pltpu.SemaphoreType.DMA,
            pltpu.SemaphoreType.DMA,
        ],
    )
    def k(hs_hbm, src_hbm, dst_hbm, z_hbm, out_hbm,
          srcv, dstv, buf0, buf1, acc, sem0, sem1):
        cid = lax.axis_index("c")
        sid = lax.axis_index("s")
        wid = sid * NC + cid
        pltpu.sync_copy(z_hbm.at[pl.ds(cid * NACC + sid * ZB, ZB)],
                        acc.at[pl.ds(sid * ZB, ZB)])
        plsc.subcore_barrier()

        @pl.loop(0, NSEG)
        def _(sg):
            pltpu.sync_copy(src_hbm.at[wid].at[pl.ds(sg * KS, KS)], srcv)
            pltpu.sync_copy(dst_hbm.at[wid].at[pl.ds(sg * KS, KS)], dstv)
            pltpu.async_copy(hs_hbm.at[srcv.at[0]], buf0, sem0)

            @pl.loop(0, KS // 2)
            def _(t):
                j0 = t * 2
                j1 = j0 + 1
                pltpu.async_copy(hs_hbm.at[srcv.at[j1]], buf1, sem1)
                pltpu.make_async_copy(hs_hbm.at[srcv.at[j0]], buf0, sem0).wait()
                pltpu.sync_copy(buf0, acc.at[dstv.at[j0]], add=True)

                @pl.when(j0 + 2 < KS)
                def _():
                    pltpu.async_copy(hs_hbm.at[srcv.at[j0 + 2]], buf0, sem0)

                pltpu.make_async_copy(hs_hbm.at[srcv.at[j1]], buf1, sem1).wait()
                pltpu.sync_copy(buf1, acc.at[dstv.at[j1]], add=True)

        plsc.subcore_barrier()
        pltpu.sync_copy(
            acc.at[pl.ds(sid * DRAIN, DRAIN)],
            out_hbm.at[pl.ds(cid * NACC + sid * DRAIN, DRAIN)],
        )

    return k(hs, srcp, dstp, zer)


def _deg_inv(dp_blk):
    deg = jnp.sum(dp_blk[0] + dp_blk[1], axis=1) * (1.0 / D) + 1.0
    return 1.0 / jnp.sqrt(deg)


def _tc_in(x, W1, dp):

    def body(x_ref, w_ref, p_ref, o_ref, d_ref):
        dinv = _deg_inv(p_ref[...])
        h = jnp.dot(x_ref[...], w_ref[...], preferred_element_type=jnp.float32)
        o_ref[...] = h * dinv[:, None]
        d_ref[0, 0, :] = dinv

    return pl.pallas_call(
        body,
        grid=(NB,),
        in_specs=[
            pl.BlockSpec((BN, D), lambda i: (i, 0)),
            pl.BlockSpec((D, D), lambda i: (0, 0)),
            pl.BlockSpec((NC, BN, D), lambda i: (0, i, 0)),
        ],
        out_specs=[
            pl.BlockSpec((BN, D), lambda i: (i, 0)),
            pl.BlockSpec((1, 1, BN), lambda i: (i, 0, 0)),
        ],
        out_shape=[
            jax.ShapeDtypeStruct((N, D), jnp.float32),
            jax.ShapeDtypeStruct((NB, 1, BN), jnp.float32),
        ],
    )(x, W1, dp)


def _tc_mid(p, hs1, dinv3, W2, b1r):

    def body(p_ref, hs_ref, dp_ref, w_ref, b_ref, o_ref):
        dinv = dp_ref[0, 0, :]
        pp = p_ref[...]
        agg = pp[0] + pp[1] + hs_ref[...]
        x2 = jnp.maximum(agg * dinv[:, None] + b_ref[...], 0.0)
        h2 = jnp.dot(x2, w_ref[...], preferred_element_type=jnp.float32)
        o_ref[...] = h2 * dinv[:, None]

    return pl.pallas_call(
        body,
        grid=(NB,),
        in_specs=[
            pl.BlockSpec((NC, BN, D), lambda i: (0, i, 0)),
            pl.BlockSpec((BN, D), lambda i: (i, 0)),
            pl.BlockSpec((1, 1, BN), lambda i: (i, 0, 0)),
            pl.BlockSpec((D, D), lambda i: (0, 0)),
            pl.BlockSpec((1, D), lambda i: (0, 0)),
        ],
        out_specs=pl.BlockSpec((BN, D), lambda i: (i, 0)),
        out_shape=jax.ShapeDtypeStruct((N, D), jnp.float32),
    )(p, hs1, dinv3, W2, b1r)


def _tc_final(q, hs2, dinv3, b2r, batch3):

    def body(q_ref, hs_ref, dp_ref, b_ref, bt_ref, g_ref, sums, cnts):
        i = pl.program_id(0)
        dinv = dp_ref[0, 0, :]
        qq = q_ref[...]
        out = (qq[0] + qq[1] + hs_ref[...]) * dinv[:, None] + b_ref[...]
        seg = bt_ref[0, 0, :]
        onehot = (
            lax.broadcasted_iota(jnp.int32, (G, BN), 0) == seg[None, :]
        ).astype(jnp.float32)
        s = jnp.dot(onehot, out, preferred_element_type=jnp.float32)
        c = jnp.sum(onehot, axis=1)[:, None]

        @pl.when(i == 0)
        def _():
            sums[...] = jnp.zeros_like(sums)
            cnts[...] = jnp.zeros_like(cnts)

        sums[...] += s
        cnts[...] += jnp.broadcast_to(c, (G, D))

        @pl.when(i == NB - 1)
        def _():
            g_ref[...] = sums[...] / jnp.maximum(cnts[...], 1.0)

    return pl.pallas_call(
        body,
        grid=(NB,),
        in_specs=[
            pl.BlockSpec((NC, BN, D), lambda i: (0, i, 0)),
            pl.BlockSpec((BN, D), lambda i: (i, 0)),
            pl.BlockSpec((1, 1, BN), lambda i: (i, 0, 0)),
            pl.BlockSpec((1, D), lambda i: (0, 0)),
            pl.BlockSpec((1, 1, BN), lambda i: (i, 0, 0)),
        ],
        out_specs=pl.BlockSpec((G, D), lambda i: (0, 0)),
        out_shape=jax.ShapeDtypeStruct((G, D), jnp.float32),
        scratch_shapes=[
            pltpu.VMEM((G, D), jnp.float32),
            pltpu.VMEM((G, D), jnp.float32),
        ],
    )(q, hs2, dinv3, b2r, batch3)


def kernel(x, edge_index, batch, W1, b1, W2, b2):
    src = edge_index[0]
    dst = edge_index[1]
    ar = jnp.arange(PAD, dtype=jnp.int32)
    srcp = jnp.concatenate([src, ar % N]).reshape(NW, KCH, CHUNK)
    dstp = jnp.concatenate([dst, N + ar % (NACC - N)]).reshape(NW, KCH, CHUNK)

    dp = _sc_degree(dstp).reshape(NC, NACC, D)
    hs1, dinv3 = _tc_in(x, W1, dp)
    p1 = _sc_edge_pass(hs1, srcp, dstp).reshape(NC, NACC, D)
    hs2 = _tc_mid(p1, hs1, dinv3, W2, b1.reshape(1, D))
    p2 = _sc_edge_pass(hs2, srcp, dstp).reshape(NC, NACC, D)
    return _tc_final(p2, hs2, dinv3, b2.reshape(1, D), batch.reshape(NB, 1, BN))

# --- scband reference (transcript-rebuilt; emitter-appended) ---
"""Pipeline reference for scband-gcn-69965017252459 (READ-ONLY COPY).

The authoritative reference and input builder live on the scoring server;
editing this copy changes nothing except your own understanding.
"""

import jax, jax.numpy as jnp
import numpy as np

N = 10000
E = 320000
D_IN = 128
D_H = 128
D_OUT = 128
G = 64


def setup_inputs(seed: int = 0):
    key = jax.random.key(seed)
    ks = jax.random.split(key, 8)
    x = jax.random.normal(ks[0], (N, D_IN), dtype=jnp.float32)
    edge_index = jax.random.randint(ks[1], (2, E), 0, N, dtype=jnp.int32)
    batch = jnp.sort(jax.random.randint(ks[2], (N,), 0, G, dtype=jnp.int32))
    W1 = jax.random.normal(ks[3], (D_IN, D_H), dtype=jnp.float32) * (1.0 / np.sqrt(D_IN))
    b1 = jnp.zeros((D_H,), dtype=jnp.float32)
    W2 = jax.random.normal(ks[4], (D_H, D_OUT), dtype=jnp.float32) * (1.0 / np.sqrt(D_H))
    b2 = jnp.zeros((D_OUT,), dtype=jnp.float32)
    return {"x": x, "edge_index": edge_index, "batch": batch, "W1": W1, "b1": b1, "W2": W2, "b2": b2}


def _gcn_conv(x, edge_index, W, b):
    # PyG GCNConv: add self-loops, symmetric normalization D^-1/2 (A+I) D^-1/2, then x @ W + b
    loop = jnp.arange(N, dtype=edge_index.dtype)
    src = jnp.concatenate([edge_index[0], loop])
    dst = jnp.concatenate([edge_index[1], loop])
    ones = jnp.ones(src.shape[0], dtype=x.dtype)
    deg = jax.ops.segment_sum(ones, dst, num_segments=N)
    deg_inv_sqrt = jnp.where(deg > 0, 1.0 / jnp.sqrt(deg), 0.0)
    norm = deg_inv_sqrt[src] * deg_inv_sqrt[dst]
    h = x @ W
    msg = h[src] * norm[:, None]
    out = jax.ops.segment_sum(msg, dst, num_segments=N)
    return out + b


def reference(x, edge_index, batch, W1, b1, W2, b2):
    # dropout p=0.6 is identity in eval mode (training=False)
    h = _gcn_conv(x, edge_index, W1, b1)
    h = jax.nn.relu(h)
    h = _gcn_conv(h, edge_index, W2, b2)
    # global_mean_pool over batch vector
    sums = jax.ops.segment_sum(h, batch, num_segments=G)
    cnt = jax.ops.segment_sum(jnp.ones((N,), dtype=h.dtype), batch, num_segments=G)
    g = sums / jnp.clip(cnt, 1.0)[:, None]
    return g

if __name__ == "__main__":
    import jax
    _d = setup_inputs()
    print(jax.jit(kernel)(*tuple(_d.values())))

</pallas_src>

<mosaic_0001>
#map = affine_map<(d0, d1) -> (0, 0, 0)>
#map1 = affine_map<(d0, d1) -> (0, 0)>
module attributes {stable_mosaic.version = 14 : i64} {
  func.func @k(%arg0: i32, %arg1: i32, %arg2: memref<32x80x128xi32, #tpu.memory_space<hbm>>, %arg3: memref<4096x128xf32, #tpu.memory_space<hbm>>, %arg4: memref<20480x128xf32, #tpu.memory_space<hbm>>, %arg5: memref<20480x128xf32, #tpu.memory_space<hbm>>, %arg6: memref<80x128xi32, #tpu.memory_space<vmem>>, %arg7: memref<128x128xf32, #tpu.memory_space<vmem>>, %arg8: memref<10240x128xf32, #tpu.memory_space<vmem_shared>>, %arg9: memref<!tpu.dma_semaphore, #tpu.memory_space<semaphore_mem>>) attributes {dimension_semantics = [#tpu.dimension_semantics<core_parallel>, #tpu.dimension_semantics<subcore_parallel>], iteration_bounds = array<i64: 2, 16>, scalar_prefetch = 0 : i64, scratch_operands = 4 : i64, tpu.core_type = #tpu.core_type<sc_vector_subcore>, window_params = [{transform_indices = #map}, {transform_indices = #map1}, {transform_indices = #map1}, {transform_indices = #map1}]} {
    %mul3A = arith.constant 2 : i32
    %mul3A_0 = arith.muli %arg1, %mul3A : i32
    %add3A = arith.addi %mul3A_0, %arg0 : i32
    %mul3A_1 = arith.constant 10240 : i32
    %mul3A_2 = arith.muli %arg0, %mul3A_1 : i32
    %mul3A_3 = arith.constant 640 : i32
    %mul3A_4 = arith.muli %arg1, %mul3A_3 : i32
    %add3A_5 = arith.addi %mul3A_2, %mul3A_4 : i32
    %mul3A_6 = arith.constant 640 : i32
    %mul3A_7 = arith.muli %arg1, %mul3A_6 : i32
    "tpu.region"() ({
      %run_scoped3A = tpu.sem_alloc : memref<!tpu.dma_semaphore, #tpu.memory_space<semaphore_mem>>
      %dma_start3A = arith.constant 0 : i32
      %dma_start3A_22 = tpu.memref_slice %arg8[%mul3A_7, %dma_start3A] : memref<10240x128xf32, #tpu.memory_space<vmem_shared>> -> memref<640x128xf32, #tpu.memory_space<vmem_shared>>
      %dma_start3A_23 = arith.constant 0 : i32
      %dma_start3A_24 = tpu.memref_slice %arg4[%add3A_5, %dma_start3A_23] : memref<20480x128xf32, #tpu.memory_space<hbm>> -> memref<640x128xf32, #tpu.memory_space<hbm>>
      tpu.enqueue_dma source(%dma_start3A_24 : memref<640x128xf32, #tpu.memory_space<hbm>>) target(%dma_start3A_22 : memref<640x128xf32, #tpu.memory_space<vmem_shared>>) target_semaphore(%run_scoped3A : memref<!tpu.dma_semaphore, #tpu.memory_space<semaphore_mem>>)
      %dma_wait3A = arith.constant 0 : i32
      %dma_wait3A_25 = tpu.memref_slice %arg8[%mul3A_7, %dma_wait3A] : memref<10240x128xf32, #tpu.memory_space<vmem_shared>> -> memref<640x128xf32, #tpu.memory_space<vmem_shared>>
      %dma_wait3A_26 = arith.constant 0 : i32
      %dma_wait3A_27 = tpu.memref_slice %arg4[%add3A_5, %dma_wait3A_26] : memref<20480x128xf32, #tpu.memory_space<hbm>> -> memref<640x128xf32, #tpu.memory_space<hbm>>
      tpu.wait_dma2 semaphore(%run_scoped3A : memref<!tpu.dma_semaphore, #tpu.memory_space<semaphore_mem>>) src(%dma_wait3A_27 : memref<640x128xf32, #tpu.memory_space<hbm>>) dst(%dma_wait3A_25 : memref<640x128xf32, #tpu.memory_space<vmem_shared>>)
      tpu.yield
    }) : () -> ()
    "tpu.region"() ({
      %run_scoped3A = tpu.sem_alloc : memref<!tpu.dma_semaphore, #tpu.memory_space<semaphore_mem>>
      %dma_start3A = arith.constant 0 : i32
      %dma_start3A_22 = arith.constant 0 : i32
      %dma_start3A_23 = tpu.memref_slice %arg2[%add3A, %dma_start3A, %dma_start3A_22] : memref<32x80x128xi32, #tpu.memory_space<hbm>> -> memref<1x80x128xi32, #tpu.memory_space<hbm>>
      %dma_start3A_24 = tpu.memref_squeeze %dma_start3A_23 : memref<1x80x128xi32, #tpu.memory_space<hbm>> -> memref<80x128xi32, #tpu.memory_space<hbm>>
      %dma_start3A_25 = arith.constant 0 : i32
      %dma_start3A_26 = arith.constant 0 : i32
      %dma_start3A_27 = tpu.memref_slice %arg2[%add3A, %dma_start3A_25, %dma_start3A_26] : memref<32x80x128xi32, #tpu.memory_space<hbm>> -> memref<1x80x128xi32, #tpu.memory_space<hbm>>
      %dma_start3A_28 = tpu.memref_squeeze %dma_start3A_27 : memref<1x80x128xi32, #tpu.memory_space<hbm>> -> memref<80x128xi32, #tpu.memory_space<hbm>>
      tpu.enqueue_dma source(%dma_start3A_28 : memref<80x128xi32, #tpu.memory_space<hbm>>) target(%arg6 : memref<80x128xi32, #tpu.memory_space<vmem>>) target_semaphore(%run_scoped3A : memref<!tpu.dma_semaphore, #tpu.memory_space<semaphore_mem>>)
      %dma_wait3A = arith.constant 0 : i32
      %dma_wait3A_29 = arith.constant 0 : i32
      %dma_wait3A_30 = tpu.memref_slice %arg2[%add3A, %dma_wait3A, %dma_wait3A_29] : memref<32x80x128xi32, #tpu.memory_space<hbm>> -> memref<1x80x128xi32, #tpu.memory_space<hbm>>
      %dma_wait3A_31 = tpu.memref_squeeze %dma_wait3A_30 : memref<1x80x128xi32, #tpu.memory_space<hbm>> -> memref<80x128xi32, #tpu.memory_space<hbm>>
      %dma_wait3A_32 = arith.constant 0 : i32
      %dma_wait3A_33 = arith.constant 0 : i32
      %dma_wait3A_34 = tpu.memref_slice %arg2[%add3A, %dma_wait3A_32, %dma_wait3A_33] : memref<32x80x128xi32, #tpu.memory_space<hbm>> -> memref<1x80x128xi32, #tpu.memory_space<hbm>>
      %dma_wait3A_35 = tpu.memref_squeeze %dma_wait3A_34 : memref<1x80x128xi32, #tpu.memory_space<hbm>> -> memref<80x128xi32, #tpu.memory_space<hbm>>
      tpu.wait_dma2 semaphore(%run_scoped3A : memref<!tpu.dma_semaphore, #tpu.memory_space<semaphore_mem>>) src(%dma_wait3A_35 : memref<80x128xi32, #tpu.memory_space<hbm>>) dst(%arg6 : memref<80x128xi32, #tpu.memory_space<vmem>>)
      tpu.yield
    }) : () -> ()
    %mul3A_8 = arith.constant 128 : i32
    %mul3A_9 = arith.muli %add3A, %mul3A_8 : i32
    "tpu.region"() ({
      %run_scoped3A = tpu.sem_alloc : memref<!tpu.dma_semaphore, #tpu.memory_space<semaphore_mem>>
      %dma_start3A = arith.constant 0 : i32
      %dma_start3A_22 = tpu.memref_slice %arg3[%mul3A_9, %dma_start3A] : memref<4096x128xf32, #tpu.memory_space<hbm>> -> memref<128x128xf32, #tpu.memory_space<hbm>>
      %dma_start3A_23 = arith.constant 0 : i32
      %dma_start3A_24 = tpu.memref_slice %arg3[%mul3A_9, %dma_start3A_23] : memref<4096x128xf32, #tpu.memory_space<hbm>> -> memref<128x128xf32, #tpu.memory_space<hbm>>
      tpu.enqueue_dma source(%dma_start3A_24 : memref<128x128xf32, #tpu.memory_space<hbm>>) target(%arg7 : memref<128x128xf32, #tpu.memory_space<vmem>>) target_semaphore(%run_scoped3A : memref<!tpu.dma_semaphore, #tpu.memory_space<semaphore_mem>>)
      %dma_wait3A = arith.constant 0 : i32
      %dma_wait3A_25 = tpu.memref_slice %arg3[%mul3A_9, %dma_wait3A] : memref<4096x128xf32, #tpu.memory_space<hbm>> -> memref<128x128xf32, #tpu.memory_space<hbm>>
      %dma_wait3A_26 = arith.constant 0 : i32
      %dma_wait3A_27 = tpu.memref_slice %arg3[%mul3A_9, %dma_wait3A_26] : memref<4096x128xf32, #tpu.memory_space<hbm>> -> memref<128x128xf32, #tpu.memory_space<hbm>>
      tpu.wait_dma2 semaphore(%run_scoped3A : memref<!tpu.dma_semaphore, #tpu.memory_space<semaphore_mem>>) src(%dma_wait3A_27 : memref<128x128xf32, #tpu.memory_space<hbm>>) dst(%arg7 : memref<128x128xf32, #tpu.memory_space<vmem>>)
      tpu.yield
    }) : () -> ()
    %barrier3A = arith.constant 0 : index
    tpu.barrier barrier_id(%barrier3A)
    %scan3A = arith.constant 0 : i32
    %scan3A_10 = arith.constant 10 : i32
    %scan3A_11 = arith.addi %scan3A, %scan3A_10 : i32
    %scan3A_12 = arith.constant 1 : i32
    scf.for %scan3A_22 = %scan3A to %scan3A_11 step %scan3A_12  : i32 {
      %mul3A_23 = arith.constant 1 : i32
      %mul3A_24 = arith.muli %scan3A_22, %mul3A_23 : i32
      %add3A_25 = arith.constant 0 : i32
      %add3A_26 = arith.addi %add3A_25, %mul3A_24 : i32
      %scan3A_27 = arith.constant 0 : i32
      %scan3A_28 = arith.constant 8 : i32
      %scan3A_29 = arith.addi %scan3A_27, %scan3A_28 : i32
      %scan3A_30 = arith.constant 1 : i32
      scf.for %scan3A_37 = %scan3A_27 to %scan3A_29 step %scan3A_30  : i32 {
        %mul3A_38 = arith.constant 1 : i32
        %mul3A_39 = arith.muli %scan3A_37, %mul3A_38 : i32
        %add3A_40 = arith.constant 0 : i32
        %add3A_41 = arith.addi %add3A_40, %mul3A_39 : i32
        %mul3A_42 = arith.constant 8 : i32
        %mul3A_43 = arith.muli %add3A_26, %mul3A_42 : i32
        %add3A_44 = arith.addi %mul3A_43, %add3A_41 : i32
        %dma_start3A = arith.constant 0 : i32
        %dma_start3A_45 = tpu.memref_slice %arg6[%add3A_44, %dma_start3A] : memref<80x128xi32, #tpu.memory_space<vmem>> -> memref<1x128xi32, #tpu.memory_space<vmem>>
        %dma_start3A_46 = tpu.memref_squeeze %dma_start3A_45 : memref<1x128xi32, #tpu.memory_space<vmem>> -> memref<128xi32, #tpu.memory_space<vmem>>
        %dma_start3A_47 = arith.constant 0 : i32
        %dma_start3A_48 = arith.constant 0 : i32
        %dma_start3A_49 = tpu.memref_slice %arg8[%dma_start3A_47, %dma_start3A_48] : memref<10240x128xf32, #tpu.memory_space<vmem_shared>> -> memref<10240x128xf32, #tpu.memory_space<vmem_shared>>
        tpu.enqueue_indirect_dma source(%arg7 : memref<128x128xf32, #tpu.memory_space<vmem>>) target(%dma_start3A_49 : memref<10240x128xf32, #tpu.memory_space<vmem_shared>>) offsets(%dma_start3A_46 : memref<128xi32, #tpu.memory_space<vmem>>) semaphore(%arg9 : memref<!tpu.dma_semaphore, #tpu.memory_space<semaphore_mem>>) {add = true}
      }
      %scan3A_31 = arith.constant 8 : i32
      %scan3A_32 = arith.constant 0 : i32
      %scan3A_33 = arith.constant 8 : i32
      %scan3A_34 = arith.addi %scan3A_32, %scan3A_33 : i32
      %scan3A_35 = arith.constant 1 : i32
      scf.for %scan3A_37 = %scan3A_32 to %scan3A_34 step %scan3A_35  : i32 {
        %mul3A_38 = arith.constant 1 : i32
        %mul3A_39 = arith.muli %scan3A_37, %mul3A_38 : i32
        %add3A_40 = arith.constant 0 : i32
        %add3A_41 = arith.addi %add3A_40, %mul3A_39 : i32
        %dma_wait3A = arith.constant 0 : i32
        %dma_wait3A_42 = arith.constant 0 : i32
        %dma_wait3A_43 = tpu.memref_slice %arg6[%dma_wait3A, %dma_wait3A_42] : memref<80x128xi32, #tpu.memory_space<vmem>> -> memref<1x128xi32, #tpu.memory_space<vmem>>
        %dma_wait3A_44 = tpu.memref_squeeze %dma_wait3A_43 : memref<1x128xi32, #tpu.memory_space<vmem>> -> memref<128xi32, #tpu.memory_space<vmem>>
        %dma_wait3A_45 = arith.constant 0 : i32
        %dma_wait3A_46 = arith.constant 0 : i32
        %dma_wait3A_47 = tpu.memref_slice %arg8[%dma_wait3A_45, %dma_wait3A_46] : memref<10240x128xf32, #tpu.memory_space<vmem_shared>> -> memref<10240x128xf32, #tpu.memory_space<vmem_shared>>
        tpu.wait_indirect_dma semaphore(%arg9 : memref<!tpu.dma_semaphore, #tpu.memory_space<semaphore_mem>>) src(%arg7 : memref<128x128xf32, #tpu.memory_space<vmem>>) dst(%dma_wait3A_47 : memref<10240x128xf32, #tpu.memory_space<vmem_shared>>)
      }
      %scan3A_36 = arith.constant 8 : i32
    }
    %scan3A_13 = arith.constant 10 : i32
    %barrier3A_14 = arith.constant 0 : index
    tpu.barrier barrier_id(%barrier3A_14)
    %mul3A_15 = arith.constant 640 : i32
    %mul3A_16 = arith.muli %arg1, %mul3A_15 : i32
    %mul3A_17 = arith.constant 10240 : i32
    %mul3A_18 = arith.muli %arg0, %mul3A_17 : i32
    %mul3A_19 = arith.constant 640 : i32
    %mul3A_20 = arith.muli %arg1, %mul3A_19 : i32
    %add3A_21 = arith.addi %mul3A_18, %mul3A_20 : i32
    "tpu.region"() ({
      %run_scoped3A = tpu.sem_alloc : memref<!tpu.dma_semaphore, #tpu.memory_space<semaphore_mem>>
      %dma_start3A = arith.constant 0 : i32
      %dma_start3A_22 = tpu.memref_slice %arg5[%add3A_21, %dma_start3A] : memref<20480x128xf32, #tpu.memory_space<hbm>> -> memref<640x128xf32, #tpu.memory_space<hbm>>
      %dma_start3A_23 = arith.constant 0 : i32
      %dma_start3A_24 = tpu.memref_slice %arg8[%mul3A_16, %dma_start3A_23] : memref<10240x128xf32, #tpu.memory_space<vmem_shared>> -> memref<640x128xf32, #tpu.memory_space<vmem_shared>>
      tpu.enqueue_dma source(%dma_start3A_24 : memref<640x128xf32, #tpu.memory_space<vmem_shared>>) target(%dma_start3A_22 : memref<640x128xf32, #tpu.memory_space<hbm>>) target_semaphore(%run_scoped3A : memref<!tpu.dma_semaphore, #tpu.memory_space<semaphore_mem>>)
      %dma_wait3A = arith.constant 0 : i32
      %dma_wait3A_25 = tpu.memref_slice %arg5[%add3A_21, %dma_wait3A] : memref<20480x128xf32, #tpu.memory_space<hbm>> -> memref<640x128xf32, #tpu.memory_space<hbm>>
      %dma_wait3A_26 = arith.constant 0 : i32
      %dma_wait3A_27 = tpu.memref_slice %arg8[%mul3A_16, %dma_wait3A_26] : memref<10240x128xf32, #tpu.memory_space<vmem_shared>> -> memref<640x128xf32, #tpu.memory_space<vmem_shared>>
      tpu.wait_dma2 semaphore(%run_scoped3A : memref<!tpu.dma_semaphore, #tpu.memory_space<semaphore_mem>>) src(%dma_wait3A_27 : memref<640x128xf32, #tpu.memory_space<vmem_shared>>) dst(%dma_wait3A_25 : memref<640x128xf32, #tpu.memory_space<hbm>>)
      tpu.yield
    }) : () -> ()
    return
  }
}

#map = affine_map<(d0, d1) -> (0, 0)>
#map1 = affine_map<(d0, d1) -> (0, 0, 0)>
module attributes {stable_mosaic.version = 14 : i64} {
  func.func @k(%arg0: i32, %arg1: i32, %arg2: memref<10000x128xf32, #tpu.memory_space<hbm>>, %arg3: memref<32x80x128xi32, #tpu.memory_space<hbm>>, %arg4: memref<32x80x128xi32, #tpu.memory_space<hbm>>, %arg5: memref<20480x128xf32, #tpu.memory_space<hbm>>, %arg6: memref<20480x128xf32, #tpu.memory_space<hbm>>, %arg7: memref<40x128xi32, #tpu.memory_space<vmem>>, %arg8: memref<40x128xi32, #tpu.memory_space<vmem>>, %arg9: memref<128x128xf32, #tpu.memory_space<vmem>>, %arg10: memref<128x128xf32, #tpu.memory_space<vmem>>, %arg11: memref<10240x128xf32, #tpu.memory_space<vmem_shared>>, %arg12: memref<!tpu.dma_semaphore, #tpu.memory_space<semaphore_mem>>, %arg13: memref<!tpu.dma_semaphore, #tpu.memory_space<semaphore_mem>>) attributes {dimension_semantics = [#tpu.dimension_semantics<core_parallel>, #tpu.dimension_semantics<subcore_parallel>], iteration_bounds = array<i64: 2, 16>, scalar_prefetch = 0 : i64, scratch_operands = 7 : i64, tpu.core_type = #tpu.core_type<sc_vector_subcore>, window_params = [{transform_indices = #map}, {transform_indices = #map1}, {transform_indices = #map1}, {transform_indices = #map}, {transform_indices = #map}]} {
    %mul3A = arith.constant 2 : i32
    %mul3A_0 = arith.muli %arg1, %mul3A : i32
    %add3A = arith.addi %mul3A_0, %arg0 : i32
    %mul3A_1 = arith.constant 10240 : i32
    %mul3A_2 = arith.muli %arg0, %mul3A_1 : i32
    %mul3A_3 = arith.constant 640 : i32
    %mul3A_4 = arith.muli %arg1, %mul3A_3 : i32
    %add3A_5 = arith.addi %mul3A_2, %mul3A_4 : i32
    %mul3A_6 = arith.constant 640 : i32
    %mul3A_7 = arith.muli %arg1, %mul3A_6 : i32
    "tpu.region"() ({
      %run_scoped3A = tpu.sem_alloc : memref<!tpu.dma_semaphore, #tpu.memory_space<semaphore_mem>>
      %dma_start3A = arith.constant 0 : i32
      %dma_start3A_20 = tpu.memref_slice %arg11[%mul3A_7, %dma_start3A] : memref<10240x128xf32, #tpu.memory_space<vmem_shared>> -> memref<640x128xf32, #tpu.memory_space<vmem_shared>>
      %dma_start3A_21 = arith.constant 0 : i32
      %dma_start3A_22 = tpu.memref_slice %arg5[%add3A_5, %dma_start3A_21] : memref<20480x128xf32, #tpu.memory_space<hbm>> -> memref<640x128xf32, #tpu.memory_space<hbm>>
      tpu.enqueue_dma source(%dma_start3A_22 : memref<640x128xf32, #tpu.memory_space<hbm>>) target(%dma_start3A_20 : memref<640x128xf32, #tpu.memory_space<vmem_shared>>) target_semaphore(%run_scoped3A : memref<!tpu.dma_semaphore, #tpu.memory_space<semaphore_mem>>)
      %dma_wait3A = arith.constant 0 : i32
      %dma_wait3A_23 = tpu.memref_slice %arg11[%mul3A_7, %dma_wait3A] : memref<10240x128xf32, #tpu.memory_space<vmem_shared>> -> memref<640x128xf32, #tpu.memory_space<vmem_shared>>
      %dma_wait3A_24 = arith.constant 0 : i32
      %dma_wait3A_25 = tpu.memref_slice %arg5[%add3A_5, %dma_wait3A_24] : memref<20480x128xf32, #tpu.memory_space<hbm>> -> memref<640x128xf32, #tpu.memory_space<hbm>>
      tpu.wait_dma2 semaphore(%run_scoped3A : memref<!tpu.dma_semaphore, #tpu.memory_space<semaphore_mem>>) src(%dma_wait3A_25 : memref<640x128xf32, #tpu.memory_space<hbm>>) dst(%dma_wait3A_23 : memref<640x128xf32, #tpu.memory_space<vmem_shared>>)
      tpu.yield
    }) : () -> ()
    %barrier3A = arith.constant 0 : index
    tpu.barrier barrier_id(%barrier3A)
    %scan3A = arith.constant 0 : i32
    %scan3A_8 = arith.constant 2 : i32
    %scan3A_9 = arith.addi %scan3A, %scan3A_8 : i32
    %scan3A_10 = arith.constant 1 : i32
    scf.for %scan3A_20 = %scan3A to %scan3A_9 step %scan3A_10  : i32 {
      %mul3A_21 = arith.constant 1 : i32
      %mul3A_22 = arith.muli %scan3A_20, %mul3A_21 : i32
      %add3A_23 = arith.constant 0 : i32
      %add3A_24 = arith.addi %add3A_23, %mul3A_22 : i32
      %mul3A_25 = arith.constant 40 : i32
      %mul3A_26 = arith.muli %add3A_24, %mul3A_25 : i32
      "tpu.region"() ({
        %run_scoped3A = tpu.sem_alloc : memref<!tpu.dma_semaphore, #tpu.memory_space<semaphore_mem>>
        %dma_start3A_40 = arith.constant 0 : i32
        %dma_start3A_41 = arith.constant 0 : i32
        %dma_start3A_42 = tpu.memref_slice %arg3[%add3A, %dma_start3A_40, %dma_start3A_41] : memref<32x80x128xi32, #tpu.memory_space<hbm>> -> memref<1x80x128xi32, #tpu.memory_space<hbm>>
        %dma_start3A_43 = tpu.memref_squeeze %dma_start3A_42 : memref<1x80x128xi32, #tpu.memory_space<hbm>> -> memref<80x128xi32, #tpu.memory_space<hbm>>
        %dma_start3A_44 = arith.constant 0 : i32
        %dma_start3A_45 = tpu.memref_slice %dma_start3A_43[%mul3A_26, %dma_start3A_44] : memref<80x128xi32, #tpu.memory_space<hbm>> -> memref<40x128xi32, #tpu.memory_space<hbm>>
        %dma_start3A_46 = arith.constant 0 : i32
        %dma_start3A_47 = arith.constant 0 : i32
        %dma_start3A_48 = tpu.memref_slice %arg3[%add3A, %dma_start3A_46, %dma_start3A_47] : memref<32x80x128xi32, #tpu.memory_space<hbm>> -> memref<1x80x128xi32, #tpu.memory_space<hbm>>
        %dma_start3A_49 = tpu.memref_squeeze %dma_start3A_48 : memref<1x80x128xi32, #tpu.memory_space<hbm>> -> memref<80x128xi32, #tpu.memory_space<hbm>>
        %dma_start3A_50 = arith.constant 0 : i32
        %dma_start3A_51 = tpu.memref_slice %dma_start3A_49[%mul3A_26, %dma_start3A_50] : memref<80x128xi32, #tpu.memory_space<hbm>> -> memref<40x128xi32, #tpu.memory_space<hbm>>
        tpu.enqueue_dma source(%dma_start3A_51 : memref<40x128xi32, #tpu.memory_space<hbm>>) target(%arg7 : memref<40x128xi32, #tpu.memory_space<vmem>>) target_semaphore(%run_scoped3A : memref<!tpu.dma_semaphore, #tpu.memory_space<semaphore_mem>>)
        %dma_wait3A = arith.constant 0 : i32
        %dma_wait3A_52 = arith.constant 0 : i32
        %dma_wait3A_53 = tpu.memref_slice %arg3[%add3A, %dma_wait3A, %dma_wait3A_52] : memref<32x80x128xi32, #tpu.memory_space<hbm>> -> memref<1x80x128xi32, #tpu.memory_space<hbm>>
        %dma_wait3A_54 = tpu.memref_squeeze %dma_wait3A_53 : memref<1x80x128xi32, #tpu.memory_space<hbm>> -> memref<80x128xi32, #tpu.memory_space<hbm>>
        %dma_wait3A_55 = arith.constant 0 : i32
        %dma_wait3A_56 = tpu.memref_slice %dma_wait3A_54[%mul3A_26, %dma_wait3A_55] : memref<80x128xi32, #tpu.memory_space<hbm>> -> memref<40x128xi32, #tpu.memory_space<hbm>>
        %dma_wait3A_57 = arith.constant 0 : i32
        %dma_wait3A_58 = arith.constant 0 : i32
        %dma_wait3A_59 = tpu.memref_slice %arg3[%add3A, %dma_wait3A_57, %dma_wait3A_58] : memref<32x80x128xi32, #tpu.memory_space<hbm>> -> memref<1x80x128xi32, #tpu.memory_space<hbm>>
        %dma_wait3A_60 = tpu.memref_squeeze %dma_wait3A_59 : memref<1x80x128xi32, #tpu.memory_space<hbm>> -> memref<80x128xi32, #tpu.memory_space<hbm>>
        %dma_wait3A_61 = arith.constant 0 : i32
        %dma_wait3A_62 = tpu.memref_slice %dma_wait3A_60[%mul3A_26, %dma_wait3A_61] : memref<80x128xi32, #tpu.memory_space<hbm>> -> memref<40x128xi32, #tpu.memory_space<hbm>>
        tpu.wait_dma2 semaphore(%run_scoped3A : memref<!tpu.dma_semaphore, #tpu.memory_space<semaphore_mem>>) src(%dma_wait3A_62 : memref<40x128xi32, #tpu.memory_space<hbm>>) dst(%arg7 : memref<40x128xi32, #tpu.memory_space<vmem>>)
        tpu.yield
      }) : () -> ()
      %mul3A_27 = arith.constant 40 : i32
      %mul3A_28 = arith.muli %add3A_24, %mul3A_27 : i32
      "tpu.region"() ({
        %run_scoped3A = tpu.sem_alloc : memref<!tpu.dma_semaphore, #tpu.memory_space<semaphore_mem>>
        %dma_start3A_40 = arith.constant 0 : i32
        %dma_start3A_41 = arith.constant 0 : i32
        %dma_start3A_42 = tpu.memref_slice %arg4[%add3A, %dma_start3A_40, %dma_start3A_41] : memref<32x80x128xi32, #tpu.memory_space<hbm>> -> memref<1x80x128xi32, #tpu.memory_space<hbm>>
        %dma_start3A_43 = tpu.memref_squeeze %dma_start3A_42 : memref<1x80x128xi32, #tpu.memory_space<hbm>> -> memref<80x128xi32, #tpu.memory_space<hbm>>
        %dma_start3A_44 = arith.constant 0 : i32
        %dma_start3A_45 = tpu.memref_slice %dma_start3A_43[%mul3A_28, %dma_start3A_44] : memref<80x128xi32, #tpu.memory_space<hbm>> -> memref<40x128xi32, #tpu.memory_space<hbm>>
        %dma_start3A_46 = arith.constant 0 : i32
        %dma_start3A_47 = arith.constant 0 : i32
        %dma_start3A_48 = tpu.memref_slice %arg4[%add3A, %dma_start3A_46, %dma_start3A_47] : memref<32x80x128xi32, #tpu.memory_space<hbm>> -> memref<1x80x128xi32, #tpu.memory_space<hbm>>
        %dma_start3A_49 = tpu.memref_squeeze %dma_start3A_48 : memref<1x80x128xi32, #tpu.memory_space<hbm>> -> memref<80x128xi32, #tpu.memory_space<hbm>>
        %dma_start3A_50 = arith.constant 0 : i32
        %dma_start3A_51 = tpu.memref_slice %dma_start3A_49[%mul3A_28, %dma_start3A_50] : memref<80x128xi32, #tpu.memory_space<hbm>> -> memref<40x128xi32, #tpu.memory_space<hbm>>
        tpu.enqueue_dma source(%dma_start3A_51 : memref<40x128xi32, #tpu.memory_space<hbm>>) target(%arg8 : memref<40x128xi32, #tpu.memory_space<vmem>>) target_semaphore(%run_scoped3A : memref<!tpu.dma_semaphore, #tpu.memory_space<semaphore_mem>>)
        %dma_wait3A = arith.constant 0 : i32
        %dma_wait3A_52 = arith.constant 0 : i32
        %dma_wait3A_53 = tpu.memref_slice %arg4[%add3A, %dma_wait3A, %dma_wait3A_52] : memref<32x80x128xi32, #tpu.memory_space<hbm>> -> memref<1x80x128xi32, #tpu.memory_space<hbm>>
        %dma_wait3A_54 = tpu.memref_squeeze %dma_wait3A_53 : memref<1x80x128xi32, #tpu.memory_space<hbm>> -> memref<80x128xi32, #tpu.memory_space<hbm>>
        %dma_wait3A_55 = arith.constant 0 : i32
        %dma_wait3A_56 = tpu.memref_slice %dma_wait3A_54[%mul3A_28, %dma_wait3A_55] : memref<80x128xi32, #tpu.memory_space<hbm>> -> memref<40x128xi32, #tpu.memory_space<hbm>>
        %dma_wait3A_57 = arith.constant 0 : i32
        %dma_wait3A_58 = arith.constant 0 : i32
        %dma_wait3A_59 = tpu.memref_slice %arg4[%add3A, %dma_wait3A_57, %dma_wait3A_58] : memref<32x80x128xi32, #tpu.memory_space<hbm>> -> memref<1x80x128xi32, #tpu.memory_space<hbm>>
        %dma_wait3A_60 = tpu.memref_squeeze %dma_wait3A_59 : memref<1x80x128xi32, #tpu.memory_space<hbm>> -> memref<80x128xi32, #tpu.memory_space<hbm>>
        %dma_wait3A_61 = arith.constant 0 : i32
        %dma_wait3A_62 = tpu.memref_slice %dma_wait3A_60[%mul3A_28, %dma_wait3A_61] : memref<80x128xi32, #tpu.memory_space<hbm>> -> memref<40x128xi32, #tpu.memory_space<hbm>>
        tpu.wait_dma2 semaphore(%run_scoped3A : memref<!tpu.dma_semaphore, #tpu.memory_space<semaphore_mem>>) src(%dma_wait3A_62 : memref<40x128xi32, #tpu.memory_space<hbm>>) dst(%arg8 : memref<40x128xi32, #tpu.memory_space<vmem>>)
        tpu.yield
      }) : () -> ()
      %dma_start3A = arith.constant 0 : i32
      %dma_start3A_29 = arith.constant 0 : i32
      %dma_start3A_30 = tpu.memref_slice %arg7[%dma_start3A, %dma_start3A_29] : memref<40x128xi32, #tpu.memory_space<vmem>> -> memref<1x128xi32, #tpu.memory_space<vmem>>
      %dma_start3A_31 = tpu.memref_squeeze %dma_start3A_30 : memref<1x128xi32, #tpu.memory_space<vmem>> -> memref<128xi32, #tpu.memory_space<vmem>>
      %dma_start3A_32 = arith.constant 0 : i32
      %dma_start3A_33 = arith.constant 0 : i32
      %dma_start3A_34 = tpu.memref_slice %arg2[%dma_start3A_32, %dma_start3A_33] : memref<10000x128xf32, #tpu.memory_space<hbm>> -> memref<10000x128xf32, #tpu.memory_space<hbm>>
      tpu.enqueue_indirect_dma source(%dma_start3A_34 : memref<10000x128xf32, #tpu.memory_space<hbm>>) target(%arg9 : memref<128x128xf32, #tpu.memory_space<vmem>>) offsets(%dma_start3A_31 : memref<128xi32, #tpu.memory_space<vmem>>) semaphore(%arg12 : memref<!tpu.dma_semaphore, #tpu.memory_space<semaphore_mem>>)
      %scan3A_35 = arith.constant 0 : i32
      %scan3A_36 = arith.constant 20 : i32
      %scan3A_37 = arith.addi %scan3A_35, %scan3A_36 : i32
      %scan3A_38 = arith.constant 1 : i32
      scf.for %scan3A_40 = %scan3A_35 to %scan3A_37 step %scan3A_38  : i32 {
        %mul3A_41 = arith.constant 1 : i32
        %mul3A_42 = arith.muli %scan3A_40, %mul3A_41 : i32
        %add3A_43 = arith.constant 0 : i32
        %add3A_44 = arith.addi %add3A_43, %mul3A_42 : i32
        %mul3A_45 = arith.constant 2 : i32
        %mul3A_46 = arith.muli %add3A_44, %mul3A_45 : i32
        %add3A_47 = arith.constant 1 : i32
        %add3A_48 = arith.addi %mul3A_46, %add3A_47 : i32
        %dma_start3A_49 = arith.constant 0 : i32
        %dma_start3A_50 = tpu.memref_slice %arg7[%add3A_48, %dma_start3A_49] : memref<40x128xi32, #tpu.memory_space<vmem>> -> memref<1x128xi32, #tpu.memory_space<vmem>>
        %dma_start3A_51 = tpu.memref_squeeze %dma_start3A_50 : memref<1x128xi32, #tpu.memory_space<vmem>> -> memref<128xi32, #tpu.memory_space<vmem>>
        %dma_start3A_52 = arith.constant 0 : i32
        %dma_start3A_53 = arith.constant 0 : i32
        %dma_start3A_54 = tpu.memref_slice %arg2[%dma_start3A_52, %dma_start3A_53] : memref<10000x128xf32, #tpu.memory_space<hbm>> -> memref<10000x128xf32, #tpu.memory_space<hbm>>
        tpu.enqueue_indirect_dma source(%dma_start3A_54 : memref<10000x128xf32, #tpu.memory_space<hbm>>) target(%arg10 : memref<128x128xf32, #tpu.memory_space<vmem>>) offsets(%dma_start3A_51 : memref<128xi32, #tpu.memory_space<vmem>>) semaphore(%arg13 : memref<!tpu.dma_semaphore, #tpu.memory_space<semaphore_mem>>)
        %dma_wait3A = arith.constant 0 : i32
        %dma_wait3A_55 = tpu.memref_slice %arg7[%mul3A_46, %dma_wait3A] : memref<40x128xi32, #tpu.memory_space<vmem>> -> memref<1x128xi32, #tpu.memory_space<vmem>>
        %dma_wait3A_56 = tpu.memref_squeeze %dma_wait3A_55 : memref<1x128xi32, #tpu.memory_space<vmem>> -> memref<128xi32, #tpu.memory_space<vmem>>
        %dma_wait3A_57 = arith.constant 0 : i32
        %dma_wait3A_58 = arith.constant 0 : i32
        %dma_wait3A_59 = tpu.memref_slice %arg2[%dma_wait3A_57, %dma_wait3A_58] : memref<10000x128xf32, #tpu.memory_space<hbm>> -> memref<10000x128xf32, #tpu.memory_space<hbm>>
        tpu.wait_indirect_dma semaphore(%arg12 : memref<!tpu.dma_semaphore, #tpu.memory_space<semaphore_mem>>) src(%dma_wait3A_59 : memref<10000x128xf32, #tpu.memory_space<hbm>>) dst(%arg9 : memref<128x128xf32, #tpu.memory_space<vmem>>)
        "tpu.region"() ({
          %run_scoped3A = tpu.sem_alloc : memref<!tpu.dma_semaphore, #tpu.memory_space<semaphore_mem>>
          %dma_start3A_70 = arith.constant 0 : i32
          %dma_start3A_71 = tpu.memref_slice %arg8[%mul3A_46, %dma_start3A_70] : memref<40x128xi32, #tpu.memory_space<vmem>> -> memref<1x128xi32, #tpu.memory_space<vmem>>
          %dma_start3A_72 = tpu.memref_squeeze %dma_start3A_71 : memref<1x128xi32, #tpu.memory_space<vmem>> -> memref<128xi32, #tpu.memory_space<vmem>>
          %dma_start3A_73 = arith.constant 0 : i32
          %dma_start3A_74 = arith.constant 0 : i32
          %dma_start3A_75 = tpu.memref_slice %arg11[%dma_start3A_73, %dma_start3A_74] : memref<10240x128xf32, #tpu.memory_space<vmem_shared>> -> memref<10240x128xf32, #tpu.memory_space<vmem_shared>>
          tpu.enqueue_indirect_dma source(%arg9 : memref<128x128xf32, #tpu.memory_space<vmem>>) target(%dma_start3A_75 : memref<10240x128xf32, #tpu.memory_space<vmem_shared>>) offsets(%dma_start3A_72 : memref<128xi32, #tpu.memory_space<vmem>>) semaphore(%run_scoped3A : memref<!tpu.dma_semaphore, #tpu.memory_space<semaphore_mem>>) {add = true}
          %dma_wait3A_76 = arith.constant 0 : i32
          %dma_wait3A_77 = tpu.memref_slice %arg8[%mul3A_46, %dma_wait3A_76] : memref<40x128xi32, #tpu.memory_space<vmem>> -> memref<1x128xi32, #tpu.memory_space<vmem>>
          %dma_wait3A_78 = tpu.memref_squeeze %dma_wait3A_77 : memref<1x128xi32, #tpu.memory_space<vmem>> -> memref<128xi32, #tpu.memory_space<vmem>>
          %dma_wait3A_79 = arith.constant 0 : i32
          %dma_wait3A_80 = arith.constant 0 : i32
          %dma_wait3A_81 = tpu.memref_slice %arg11[%dma_wait3A_79, %dma_wait3A_80] : memref<10240x128xf32, #tpu.memory_space<vmem_shared>> -> memref<10240x128xf32, #tpu.memory_space<vmem_shared>>
          tpu.wait_indirect_dma semaphore(%run_scoped3A : memref<!tpu.dma_semaphore, #tpu.memory_space<semaphore_mem>>) src(%arg9 : memref<128x128xf32, #tpu.memory_space<vmem>>) dst(%dma_wait3A_81 : memref<10240x128xf32, #tpu.memory_space<vmem_shared>>)
          tpu.yield
        }) : () -> ()
        %add3A_60 = arith.constant 2 : i32
        %add3A_61 = arith.addi %mul3A_46, %add3A_60 : i32
        %lt3A = arith.constant 40 : i32
        %lt3A_62 = arith.cmpi slt, %add3A_61, %lt3A : i32
        %convert_element_type3A = arith.extui %lt3A_62 : i1 to i32
        %cond3A = arith.constant 0 : i32
        %cond3A_63 = arith.cmpi ne, %convert_element_type3A, %cond3A : i32
        scf.if %cond3A_63 {
          %add3A_70 = arith.constant 2 : i32
          %add3A_71 = arith.addi %mul3A_46, %add3A_70 : i32
          %dma_start3A_72 = arith.constant 0 : i32
          %dma_start3A_73 = tpu.memref_slice %arg7[%add3A_71, %dma_start3A_72] : memref<40x128xi32, #tpu.memory_space<vmem>> -> memref<1x128xi32, #tpu.memory_space<vmem>>
          %dma_start3A_74 = tpu.memref_squeeze %dma_start3A_73 : memref<1x128xi32, #tpu.memory_space<vmem>> -> memref<128xi32, #tpu.memory_space<vmem>>
          %dma_start3A_75 = arith.constant 0 : i32
          %dma_start3A_76 = arith.constant 0 : i32
          %dma_start3A_77 = tpu.memref_slice %arg2[%dma_start3A_75, %dma_start3A_76] : memref<10000x128xf32, #tpu.memory_space<hbm>> -> memref<10000x128xf32, #tpu.memory_space<hbm>>
          tpu.enqueue_indirect_dma source(%dma_start3A_77 : memref<10000x128xf32, #tpu.memory_space<hbm>>) target(%arg9 : memref<128x128xf32, #tpu.memory_space<vmem>>) offsets(%dma_start3A_74 : memref<128xi32, #tpu.memory_space<vmem>>) semaphore(%arg12 : memref<!tpu.dma_semaphore, #tpu.memory_space<semaphore_mem>>)
        } else {
        }
        %dma_wait3A_64 = arith.constant 0 : i32
        %dma_wait3A_65 = tpu.memref_slice %arg7[%add3A_48, %dma_wait3A_64] : memref<40x128xi32, #tpu.memory_space<vmem>> -> memref<1x128xi32, #tpu.memory_space<vmem>>
        %dma_wait3A_66 = tpu.memref_squeeze %dma_wait3A_65 : memref<1x128xi32, #tpu.memory_space<vmem>> -> memref<128xi32, #tpu.memory_space<vmem>>
        %dma_wait3A_67 = arith.constant 0 : i32
        %dma_wait3A_68 = arith.constant 0 : i32
        %dma_wait3A_69 = tpu.memref_slice %arg2[%dma_wait3A_67, %dma_wait3A_68] : memref<10000x128xf32, #tpu.memory_space<hbm>> -> memref<10000x128xf32, #tpu.memory_space<hbm>>
        tpu.wait_indirect_dma semaphore(%arg13 : memref<!tpu.dma_semaphore, #tpu.memory_space<semaphore_mem>>) src(%dma_wait3A_69 : memref<10000x128xf32, #tpu.memory_space<hbm>>) dst(%arg10 : memref<128x128xf32, #tpu.memory_space<vmem>>)
        "tpu.region"() ({
          %run_scoped3A = tpu.sem_alloc : memref<!tpu.dma_semaphore, #tpu.memory_space<semaphore_mem>>
          %dma_start3A_70 = arith.constant 0 : i32
          %dma_start3A_71 = tpu.memref_slice %arg8[%add3A_48, %dma_start3A_70] : memref<40x128xi32, #tpu.memory_space<vmem>> -> memref<1x128xi32, #tpu.memory_space<vmem>>
          %dma_start3A_72 = tpu.memref_squeeze %dma_start3A_71 : memref<1x128xi32, #tpu.memory_space<vmem>> -> memref<128xi32, #tpu.memory_space<vmem>>
          %dma_start3A_73 = arith.constant 0 : i32
          %dma_start3A_74 = arith.constant 0 : i32
          %dma_start3A_75 = tpu.memref_slice %arg11[%dma_start3A_73, %dma_start3A_74] : memref<10240x128xf32, #tpu.memory_space<vmem_shared>> -> memref<10240x128xf32, #tpu.memory_space<vmem_shared>>
          tpu.enqueue_indirect_dma source(%arg10 : memref<128x128xf32, #tpu.memory_space<vmem>>) target(%dma_start3A_75 : memref<10240x128xf32, #tpu.memory_space<vmem_shared>>) offsets(%dma_start3A_72 : memref<128xi32, #tpu.memory_space<vmem>>) semaphore(%run_scoped3A : memref<!tpu.dma_semaphore, #tpu.memory_space<semaphore_mem>>) {add = true}
          %dma_wait3A_76 = arith.constant 0 : i32
          %dma_wait3A_77 = tpu.memref_slice %arg8[%add3A_48, %dma_wait3A_76] : memref<40x128xi32, #tpu.memory_space<vmem>> -> memref<1x128xi32, #tpu.memory_space<vmem>>
          %dma_wait3A_78 = tpu.memref_squeeze %dma_wait3A_77 : memref<1x128xi32, #tpu.memory_space<vmem>> -> memref<128xi32, #tpu.memory_space<vmem>>
          %dma_wait3A_79 = arith.constant 0 : i32
          %dma_wait3A_80 = arith.constant 0 : i32
          %dma_wait3A_81 = tpu.memref_slice %arg11[%dma_wait3A_79, %dma_wait3A_80] : memref<10240x128xf32, #tpu.memory_space<vmem_shared>> -> memref<10240x128xf32, #tpu.memory_space<vmem_shared>>
          tpu.wait_indirect_dma semaphore(%run_scoped3A : memref<!tpu.dma_semaphore, #tpu.memory_space<semaphore_mem>>) src(%arg10 : memref<128x128xf32, #tpu.memory_space<vmem>>) dst(%dma_wait3A_81 : memref<10240x128xf32, #tpu.memory_space<vmem_shared>>)
          tpu.yield
        }) : () -> ()
      }
      %scan3A_39 = arith.constant 20 : i32
    }
    %scan3A_11 = arith.constant 2 : i32
    %barrier3A_12 = arith.constant 0 : index
    tpu.barrier barrier_id(%barrier3A_12)
    %mul3A_13 = arith.constant 640 : i32
    %mul3A_14 = arith.muli %arg1, %mul3A_13 : i32
    %mul3A_15 = arith.constant 10240 : i32
    %mul3A_16 = arith.muli %arg0, %mul3A_15 : i32
    %mul3A_17 = arith.constant 640 : i32
    %mul3A_18 = arith.muli %arg1, %mul3A_17 : i32
    %add3A_19 = arith.addi %mul3A_16, %mul3A_18 : i32
    "tpu.region"() ({
      %run_scoped3A = tpu.sem_alloc : memref<!tpu.dma_semaphore, #tpu.memory_space<semaphore_mem>>
      %dma_start3A = arith.constant 0 : i32
      %dma_start3A_20 = tpu.memref_slice %arg6[%add3A_19, %dma_start3A] : memref<20480x128xf32, #tpu.memory_space<hbm>> -> memref<640x128xf32, #tpu.memory_space<hbm>>
      %dma_start3A_21 = arith.constant 0 : i32
      %dma_start3A_22 = tpu.memref_slice %arg11[%mul3A_14, %dma_start3A_21] : memref<10240x128xf32, #tpu.memory_space<vmem_shared>> -> memref<640x128xf32, #tpu.memory_space<vmem_shared>>
      tpu.enqueue_dma source(%dma_start3A_22 : memref<640x128xf32, #tpu.memory_space<vmem_shared>>) target(%dma_start3A_20 : memref<640x128xf32, #tpu.memory_space<hbm>>) target_semaphore(%run_scoped3A : memref<!tpu.dma_semaphore, #tpu.memory_space<semaphore_mem>>)
      %dma_wait3A = arith.constant 0 : i32
      %dma_wait3A_23 = tpu.memref_slice %arg6[%add3A_19, %dma_wait3A] : memref<20480x128xf32, #tpu.memory_space<hbm>> -> memref<640x128xf32, #tpu.memory_space<hbm>>
      %dma_wait3A_24 = arith.constant 0 : i32
      %dma_wait3A_25 = tpu.memref_slice %arg11[%mul3A_14, %dma_wait3A_24] : memref<10240x128xf32, #tpu.memory_space<vmem_shared>> -> memref<640x128xf32, #tpu.memory_space<vmem_shared>>
      tpu.wait_dma2 semaphore(%run_scoped3A : memref<!tpu.dma_semaphore, #tpu.memory_space<semaphore_mem>>) src(%dma_wait3A_25 : memref<640x128xf32, #tpu.memory_space<vmem_shared>>) dst(%dma_wait3A_23 : memref<640x128xf32, #tpu.memory_space<hbm>>)
      tpu.yield
    }) : () -> ()
    return
  }
}

#map = affine_map<(d0, d1) -> (0, 0)>
#map1 = affine_map<(d0, d1) -> (0, 0, 0)>
module attributes {stable_mosaic.version = 14 : i64} {
  func.func @k(%arg0: i32, %arg1: i32, %arg2: memref<10000x128xf32, #tpu.memory_space<hbm>>, %arg3: memref<32x80x128xi32, #tpu.memory_space<hbm>>, %arg4: memref<32x80x128xi32, #tpu.memory_space<hbm>>, %arg5: memref<20480x128xf32, #tpu.memory_space<hbm>>, %arg6: memref<20480x128xf32, #tpu.memory_space<hbm>>, %arg7: memref<40x128xi32, #tpu.memory_space<vmem>>, %arg8: memref<40x128xi32, #tpu.memory_space<vmem>>, %arg9: memref<128x128xf32, #tpu.memory_space<vmem>>, %arg10: memref<128x128xf32, #tpu.memory_space<vmem>>, %arg11: memref<10240x128xf32, #tpu.memory_space<vmem_shared>>, %arg12: memref<!tpu.dma_semaphore, #tpu.memory_space<semaphore_mem>>, %arg13: memref<!tpu.dma_semaphore, #tpu.memory_space<semaphore_mem>>) attributes {dimension_semantics = [#tpu.dimension_semantics<core_parallel>, #tpu.dimension_semantics<subcore_parallel>], iteration_bounds = array<i64: 2, 16>, scalar_prefetch = 0 : i64, scratch_operands = 7 : i64, tpu.core_type = #tpu.core_type<sc_vector_subcore>, window_params = [{transform_indices = #map}, {transform_indices = #map1}, {transform_indices = #map1}, {transform_indices = #map}, {transform_indices = #map}]} {
    %mul3A = arith.constant 2 : i32
    %mul3A_0 = arith.muli %arg1, %mul3A : i32
    %add3A = arith.addi %mul3A_0, %arg0 : i32
    %mul3A_1 = arith.constant 10240 : i32
    %mul3A_2 = arith.muli %arg0, %mul3A_1 : i32
    %mul3A_3 = arith.constant 640 : i32
    %mul3A_4 = arith.muli %arg1, %mul3A_3 : i32
    %add3A_5 = arith.addi %mul3A_2, %mul3A_4 : i32
    %mul3A_6 = arith.constant 640 : i32
    %mul3A_7 = arith.muli %arg1, %mul3A_6 : i32
    "tpu.region"() ({
      %run_scoped3A = tpu.sem_alloc : memref<!tpu.dma_semaphore, #tpu.memory_space<semaphore_mem>>
      %dma_start3A = arith.constant 0 : i32
      %dma_start3A_20 = tpu.memref_slice %arg11[%mul3A_7, %dma_start3A] : memref<10240x128xf32, #tpu.memory_space<vmem_shared>> -> memref<640x128xf32, #tpu.memory_space<vmem_shared>>
      %dma_start3A_21 = arith.constant 0 : i32
      %dma_start3A_22 = tpu.memref_slice %arg5[%add3A_5, %dma_start3A_21] : memref<20480x128xf32, #tpu.memory_space<hbm>> -> memref<640x128xf32, #tpu.memory_space<hbm>>
      tpu.enqueue_dma source(%dma_start3A_22 : memref<640x128xf32, #tpu.memory_space<hbm>>) target(%dma_start3A_20 : memref<640x128xf32, #tpu.memory_space<vmem_shared>>) target_semaphore(%run_scoped3A : memref<!tpu.dma_semaphore, #tpu.memory_space<semaphore_mem>>)
      %dma_wait3A = arith.constant 0 : i32
      %dma_wait3A_23 = tpu.memref_slice %arg11[%mul3A_7, %dma_wait3A] : memref<10240x128xf32, #tpu.memory_space<vmem_shared>> -> memref<640x128xf32, #tpu.memory_space<vmem_shared>>
      %dma_wait3A_24 = arith.constant 0 : i32
      %dma_wait3A_25 = tpu.memref_slice %arg5[%add3A_5, %dma_wait3A_24] : memref<20480x128xf32, #tpu.memory_space<hbm>> -> memref<640x128xf32, #tpu.memory_space<hbm>>
      tpu.wait_dma2 semaphore(%run_scoped3A : memref<!tpu.dma_semaphore, #tpu.memory_space<semaphore_mem>>) src(%dma_wait3A_25 : memref<640x128xf32, #tpu.memory_space<hbm>>) dst(%dma_wait3A_23 : memref<640x128xf32, #tpu.memory_space<vmem_shared>>)
      tpu.yield
    }) : () -> ()
    %barrier3A = arith.constant 0 : index
    tpu.barrier barrier_id(%barrier3A)
    %scan3A = arith.constant 0 : i32
    %scan3A_8 = arith.constant 2 : i32
    %scan3A_9 = arith.addi %scan3A, %scan3A_8 : i32
    %scan3A_10 = arith.constant 1 : i32
    scf.for %scan3A_20 = %scan3A to %scan3A_9 step %scan3A_10  : i32 {
      %mul3A_21 = arith.constant 1 : i32
      %mul3A_22 = arith.muli %scan3A_20, %mul3A_21 : i32
      %add3A_23 = arith.constant 0 : i32
      %add3A_24 = arith.addi %add3A_23, %mul3A_22 : i32
      %mul3A_25 = arith.constant 40 : i32
      %mul3A_26 = arith.muli %add3A_24, %mul3A_25 : i32
      "tpu.region"() ({
        %run_scoped3A = tpu.sem_alloc : memref<!tpu.dma_semaphore, #tpu.memory_space<semaphore_mem>>
        %dma_start3A_40 = arith.constant 0 : i32
        %dma_start3A_41 = arith.constant 0 : i32
        %dma_start3A_42 = tpu.memref_slice %arg3[%add3A, %dma_start3A_40, %dma_start3A_41] : memref<32x80x128xi32, #tpu.memory_space<hbm>> -> memref<1x80x128xi32, #tpu.memory_space<hbm>>
        %dma_start3A_43 = tpu.memref_squeeze %dma_start3A_42 : memref<1x80x128xi32, #tpu.memory_space<hbm>> -> memref<80x128xi32, #tpu.memory_space<hbm>>
        %dma_start3A_44 = arith.constant 0 : i32
        %dma_start3A_45 = tpu.memref_slice %dma_start3A_43[%mul3A_26, %dma_start3A_44] : memref<80x128xi32, #tpu.memory_space<hbm>> -> memref<40x128xi32, #tpu.memory_space<hbm>>
        %dma_start3A_46 = arith.constant 0 : i32
        %dma_start3A_47 = arith.constant 0 : i32
        %dma_start3A_48 = tpu.memref_slice %arg3[%add3A, %dma_start3A_46, %dma_start3A_47] : memref<32x80x128xi32, #tpu.memory_space<hbm>> -> memref<1x80x128xi32, #tpu.memory_space<hbm>>
        %dma_start3A_49 = tpu.memref_squeeze %dma_start3A_48 : memref<1x80x128xi32, #tpu.memory_space<hbm>> -> memref<80x128xi32, #tpu.memory_space<hbm>>
        %dma_start3A_50 = arith.constant 0 : i32
        %dma_start3A_51 = tpu.memref_slice %dma_start3A_49[%mul3A_26, %dma_start3A_50] : memref<80x128xi32, #tpu.memory_space<hbm>> -> memref<40x128xi32, #tpu.memory_space<hbm>>
        tpu.enqueue_dma source(%dma_start3A_51 : memref<40x128xi32, #tpu.memory_space<hbm>>) target(%arg7 : memref<40x128xi32, #tpu.memory_space<vmem>>) target_semaphore(%run_scoped3A : memref<!tpu.dma_semaphore, #tpu.memory_space<semaphore_mem>>)
        %dma_wait3A = arith.constant 0 : i32
        %dma_wait3A_52 = arith.constant 0 : i32
        %dma_wait3A_53 = tpu.memref_slice %arg3[%add3A, %dma_wait3A, %dma_wait3A_52] : memref<32x80x128xi32, #tpu.memory_space<hbm>> -> memref<1x80x128xi32, #tpu.memory_space<hbm>>
        %dma_wait3A_54 = tpu.memref_squeeze %dma_wait3A_53 : memref<1x80x128xi32, #tpu.memory_space<hbm>> -> memref<80x128xi32, #tpu.memory_space<hbm>>
        %dma_wait3A_55 = arith.constant 0 : i32
        %dma_wait3A_56 = tpu.memref_slice %dma_wait3A_54[%mul3A_26, %dma_wait3A_55] : memref<80x128xi32, #tpu.memory_space<hbm>> -> memref<40x128xi32, #tpu.memory_space<hbm>>
        %dma_wait3A_57 = arith.constant 0 : i32
        %dma_wait3A_58 = arith.constant 0 : i32
        %dma_wait3A_59 = tpu.memref_slice %arg3[%add3A, %dma_wait3A_57, %dma_wait3A_58] : memref<32x80x128xi32, #tpu.memory_space<hbm>> -> memref<1x80x128xi32, #tpu.memory_space<hbm>>
        %dma_wait3A_60 = tpu.memref_squeeze %dma_wait3A_59 : memref<1x80x128xi32, #tpu.memory_space<hbm>> -> memref<80x128xi32, #tpu.memory_space<hbm>>
        %dma_wait3A_61 = arith.constant 0 : i32
        %dma_wait3A_62 = tpu.memref_slice %dma_wait3A_60[%mul3A_26, %dma_wait3A_61] : memref<80x128xi32, #tpu.memory_space<hbm>> -> memref<40x128xi32, #tpu.memory_space<hbm>>
        tpu.wait_dma2 semaphore(%run_scoped3A : memref<!tpu.dma_semaphore, #tpu.memory_space<semaphore_mem>>) src(%dma_wait3A_62 : memref<40x128xi32, #tpu.memory_space<hbm>>) dst(%arg7 : memref<40x128xi32, #tpu.memory_space<vmem>>)
        tpu.yield
      }) : () -> ()
      %mul3A_27 = arith.constant 40 : i32
      %mul3A_28 = arith.muli %add3A_24, %mul3A_27 : i32
      "tpu.region"() ({
        %run_scoped3A = tpu.sem_alloc : memref<!tpu.dma_semaphore, #tpu.memory_space<semaphore_mem>>
        %dma_start3A_40 = arith.constant 0 : i32
        %dma_start3A_41 = arith.constant 0 : i32
        %dma_start3A_42 = tpu.memref_slice %arg4[%add3A, %dma_start3A_40, %dma_start3A_41] : memref<32x80x128xi32, #tpu.memory_space<hbm>> -> memref<1x80x128xi32, #tpu.memory_space<hbm>>
        %dma_start3A_43 = tpu.memref_squeeze %dma_start3A_42 : memref<1x80x128xi32, #tpu.memory_space<hbm>> -> memref<80x128xi32, #tpu.memory_space<hbm>>
        %dma_start3A_44 = arith.constant 0 : i32
        %dma_start3A_45 = tpu.memref_slice %dma_start3A_43[%mul3A_28, %dma_start3A_44] : memref<80x128xi32, #tpu.memory_space<hbm>> -> memref<40x128xi32, #tpu.memory_space<hbm>>
        %dma_start3A_46 = arith.constant 0 : i32
        %dma_start3A_47 = arith.constant 0 : i32
        %dma_start3A_48 = tpu.memref_slice %arg4[%add3A, %dma_start3A_46, %dma_start3A_47] : memref<32x80x128xi32, #tpu.memory_space<hbm>> -> memref<1x80x128xi32, #tpu.memory_space<hbm>>
        %dma_start3A_49 = tpu.memref_squeeze %dma_start3A_48 : memref<1x80x128xi32, #tpu.memory_space<hbm>> -> memref<80x128xi32, #tpu.memory_space<hbm>>
        %dma_start3A_50 = arith.constant 0 : i32
        %dma_start3A_51 = tpu.memref_slice %dma_start3A_49[%mul3A_28, %dma_start3A_50] : memref<80x128xi32, #tpu.memory_space<hbm>> -> memref<40x128xi32, #tpu.memory_space<hbm>>
        tpu.enqueue_dma source(%dma_start3A_51 : memref<40x128xi32, #tpu.memory_space<hbm>>) target(%arg8 : memref<40x128xi32, #tpu.memory_space<vmem>>) target_semaphore(%run_scoped3A : memref<!tpu.dma_semaphore, #tpu.memory_space<semaphore_mem>>)
        %dma_wait3A = arith.constant 0 : i32
        %dma_wait3A_52 = arith.constant 0 : i32
        %dma_wait3A_53 = tpu.memref_slice %arg4[%add3A, %dma_wait3A, %dma_wait3A_52] : memref<32x80x128xi32, #tpu.memory_space<hbm>> -> memref<1x80x128xi32, #tpu.memory_space<hbm>>
        %dma_wait3A_54 = tpu.memref_squeeze %dma_wait3A_53 : memref<1x80x128xi32, #tpu.memory_space<hbm>> -> memref<80x128xi32, #tpu.memory_space<hbm>>
        %dma_wait3A_55 = arith.constant 0 : i32
        %dma_wait3A_56 = tpu.memref_slice %dma_wait3A_54[%mul3A_28, %dma_wait3A_55] : memref<80x128xi32, #tpu.memory_space<hbm>> -> memref<40x128xi32, #tpu.memory_space<hbm>>
        %dma_wait3A_57 = arith.constant 0 : i32
        %dma_wait3A_58 = arith.constant 0 : i32
        %dma_wait3A_59 = tpu.memref_slice %arg4[%add3A, %dma_wait3A_57, %dma_wait3A_58] : memref<32x80x128xi32, #tpu.memory_space<hbm>> -> memref<1x80x128xi32, #tpu.memory_space<hbm>>
        %dma_wait3A_60 = tpu.memref_squeeze %dma_wait3A_59 : memref<1x80x128xi32, #tpu.memory_space<hbm>> -> memref<80x128xi32, #tpu.memory_space<hbm>>
        %dma_wait3A_61 = arith.constant 0 : i32
        %dma_wait3A_62 = tpu.memref_slice %dma_wait3A_60[%mul3A_28, %dma_wait3A_61] : memref<80x128xi32, #tpu.memory_space<hbm>> -> memref<40x128xi32, #tpu.memory_space<hbm>>
        tpu.wait_dma2 semaphore(%run_scoped3A : memref<!tpu.dma_semaphore, #tpu.memory_space<semaphore_mem>>) src(%dma_wait3A_62 : memref<40x128xi32, #tpu.memory_space<hbm>>) dst(%arg8 : memref<40x128xi32, #tpu.memory_space<vmem>>)
        tpu.yield
      }) : () -> ()
      %dma_start3A = arith.constant 0 : i32
      %dma_start3A_29 = arith.constant 0 : i32
      %dma_start3A_30 = tpu.memref_slice %arg7[%dma_start3A, %dma_start3A_29] : memref<40x128xi32, #tpu.memory_space<vmem>> -> memref<1x128xi32, #tpu.memory_space<vmem>>
      %dma_start3A_31 = tpu.memref_squeeze %dma_start3A_30 : memref<1x128xi32, #tpu.memory_space<vmem>> -> memref<128xi32, #tpu.memory_space<vmem>>
      %dma_start3A_32 = arith.constant 0 : i32
      %dma_start3A_33 = arith.constant 0 : i32
      %dma_start3A_34 = tpu.memref_slice %arg2[%dma_start3A_32, %dma_start3A_33] : memref<10000x128xf32, #tpu.memory_space<hbm>> -> memref<10000x128xf32, #tpu.memory_space<hbm>>
      tpu.enqueue_indirect_dma source(%dma_start3A_34 : memref<10000x128xf32, #tpu.memory_space<hbm>>) target(%arg9 : memref<128x128xf32, #tpu.memory_space<vmem>>) offsets(%dma_start3A_31 : memref<128xi32, #tpu.memory_space<vmem>>) semaphore(%arg12 : memref<!tpu.dma_semaphore, #tpu.memory_space<semaphore_mem>>)
      %scan3A_35 = arith.constant 0 : i32
      %scan3A_36 = arith.constant 20 : i32
      %scan3A_37 = arith.addi %scan3A_35, %scan3A_36 : i32
      %scan3A_38 = arith.constant 1 : i32
      scf.for %scan3A_40 = %scan3A_35 to %scan3A_37 step %scan3A_38  : i32 {
        %mul3A_41 = arith.constant 1 : i32
        %mul3A_42 = arith.muli %scan3A_40, %mul3A_41 : i32
        %add3A_43 = arith.constant 0 : i32
        %add3A_44 = arith.addi %add3A_43, %mul3A_42 : i32
        %mul3A_45 = arith.constant 2 : i32
        %mul3A_46 = arith.muli %add3A_44, %mul3A_45 : i32
        %add3A_47 = arith.constant 1 : i32
        %add3A_48 = arith.addi %mul3A_46, %add3A_47 : i32
        %dma_start3A_49 = arith.constant 0 : i32
        %dma_start3A_50 = tpu.memref_slice %arg7[%add3A_48, %dma_start3A_49] : memref<40x128xi32, #tpu.memory_space<vmem>> -> memref<1x128xi32, #tpu.memory_space<vmem>>
        %dma_start3A_51 = tpu.memref_squeeze %dma_start3A_50 : memref<1x128xi32, #tpu.memory_space<vmem>> -> memref<128xi32, #tpu.memory_space<vmem>>
        %dma_start3A_52 = arith.constant 0 : i32
        %dma_start3A_53 = arith.constant 0 : i32
        %dma_start3A_54 = tpu.memref_slice %arg2[%dma_start3A_52, %dma_start3A_53] : memref<10000x128xf32, #tpu.memory_space<hbm>> -> memref<10000x128xf32, #tpu.memory_space<hbm>>
        tpu.enqueue_indirect_dma source(%dma_start3A_54 : memref<10000x128xf32, #tpu.memory_space<hbm>>) target(%arg10 : memref<128x128xf32, #tpu.memory_space<vmem>>) offsets(%dma_start3A_51 : memref<128xi32, #tpu.memory_space<vmem>>) semaphore(%arg13 : memref<!tpu.dma_semaphore, #tpu.memory_space<semaphore_mem>>)
        %dma_wait3A = arith.constant 0 : i32
        %dma_wait3A_55 = tpu.memref_slice %arg7[%mul3A_46, %dma_wait3A] : memref<40x128xi32, #tpu.memory_space<vmem>> -> memref<1x128xi32, #tpu.memory_space<vmem>>
        %dma_wait3A_56 = tpu.memref_squeeze %dma_wait3A_55 : memref<1x128xi32, #tpu.memory_space<vmem>> -> memref<128xi32, #tpu.memory_space<vmem>>
        %dma_wait3A_57 = arith.constant 0 : i32
        %dma_wait3A_58 = arith.constant 0 : i32
        %dma_wait3A_59 = tpu.memref_slice %arg2[%dma_wait3A_57, %dma_wait3A_58] : memref<10000x128xf32, #tpu.memory_space<hbm>> -> memref<10000x128xf32, #tpu.memory_space<hbm>>
        tpu.wait_indirect_dma semaphore(%arg12 : memref<!tpu.dma_semaphore, #tpu.memory_space<semaphore_mem>>) src(%dma_wait3A_59 : memref<10000x128xf32, #tpu.memory_space<hbm>>) dst(%arg9 : memref<128x128xf32, #tpu.memory_space<vmem>>)
        "tpu.region"() ({
          %run_scoped3A = tpu.sem_alloc : memref<!tpu.dma_semaphore, #tpu.memory_space<semaphore_mem>>
          %dma_start3A_70 = arith.constant 0 : i32
          %dma_start3A_71 = tpu.memref_slice %arg8[%mul3A_46, %dma_start3A_70] : memref<40x128xi32, #tpu.memory_space<vmem>> -> memref<1x128xi32, #tpu.memory_space<vmem>>
          %dma_start3A_72 = tpu.memref_squeeze %dma_start3A_71 : memref<1x128xi32, #tpu.memory_space<vmem>> -> memref<128xi32, #tpu.memory_space<vmem>>
          %dma_start3A_73 = arith.constant 0 : i32
          %dma_start3A_74 = arith.constant 0 : i32
          %dma_start3A_75 = tpu.memref_slice %arg11[%dma_start3A_73, %dma_start3A_74] : memref<10240x128xf32, #tpu.memory_space<vmem_shared>> -> memref<10240x128xf32, #tpu.memory_space<vmem_shared>>
          tpu.enqueue_indirect_dma source(%arg9 : memref<128x128xf32, #tpu.memory_space<vmem>>) target(%dma_start3A_75 : memref<10240x128xf32, #tpu.memory_space<vmem_shared>>) offsets(%dma_start3A_72 : memref<128xi32, #tpu.memory_space<vmem>>) semaphore(%run_scoped3A : memref<!tpu.dma_semaphore, #tpu.memory_space<semaphore_mem>>) {add = true}
          %dma_wait3A_76 = arith.constant 0 : i32
          %dma_wait3A_77 = tpu.memref_slice %arg8[%mul3A_46, %dma_wait3A_76] : memref<40x128xi32, #tpu.memory_space<vmem>> -> memref<1x128xi32, #tpu.memory_space<vmem>>
          %dma_wait3A_78 = tpu.memref_squeeze %dma_wait3A_77 : memref<1x128xi32, #tpu.memory_space<vmem>> -> memref<128xi32, #tpu.memory_space<vmem>>
          %dma_wait3A_79 = arith.constant 0 : i32
          %dma_wait3A_80 = arith.constant 0 : i32
          %dma_wait3A_81 = tpu.memref_slice %arg11[%dma_wait3A_79, %dma_wait3A_80] : memref<10240x128xf32, #tpu.memory_space<vmem_shared>> -> memref<10240x128xf32, #tpu.memory_space<vmem_shared>>
          tpu.wait_indirect_dma semaphore(%run_scoped3A : memref<!tpu.dma_semaphore, #tpu.memory_space<semaphore_mem>>) src(%arg9 : memref<128x128xf32, #tpu.memory_space<vmem>>) dst(%dma_wait3A_81 : memref<10240x128xf32, #tpu.memory_space<vmem_shared>>)
          tpu.yield
        }) : () -> ()
        %add3A_60 = arith.constant 2 : i32
        %add3A_61 = arith.addi %mul3A_46, %add3A_60 : i32
        %lt3A = arith.constant 40 : i32
        %lt3A_62 = arith.cmpi slt, %add3A_61, %lt3A : i32
        %convert_element_type3A = arith.extui %lt3A_62 : i1 to i32
        %cond3A = arith.constant 0 : i32
        %cond3A_63 = arith.cmpi ne, %convert_element_type3A, %cond3A : i32
        scf.if %cond3A_63 {
          %add3A_70 = arith.constant 2 : i32
          %add3A_71 = arith.addi %mul3A_46, %add3A_70 : i32
          %dma_start3A_72 = arith.constant 0 : i32
          %dma_start3A_73 = tpu.memref_slice %arg7[%add3A_71, %dma_start3A_72] : memref<40x128xi32, #tpu.memory_space<vmem>> -> memref<1x128xi32, #tpu.memory_space<vmem>>
          %dma_start3A_74 = tpu.memref_squeeze %dma_start3A_73 : memref<1x128xi32, #tpu.memory_space<vmem>> -> memref<128xi32, #tpu.memory_space<vmem>>
          %dma_start3A_75 = arith.constant 0 : i32
          %dma_start3A_76 = arith.constant 0 : i32
          %dma_start3A_77 = tpu.memref_slice %arg2[%dma_start3A_75, %dma_start3A_76] : memref<10000x128xf32, #tpu.memory_space<hbm>> -> memref<10000x128xf32, #tpu.memory_space<hbm>>
          tpu.enqueue_indirect_dma source(%dma_start3A_77 : memref<10000x128xf32, #tpu.memory_space<hbm>>) target(%arg9 : memref<128x128xf32, #tpu.memory_space<vmem>>) offsets(%dma_start3A_74 : memref<128xi32, #tpu.memory_space<vmem>>) semaphore(%arg12 : memref<!tpu.dma_semaphore, #tpu.memory_space<semaphore_mem>>)
        } else {
        }
        %dma_wait3A_64 = arith.constant 0 : i32
        %dma_wait3A_65 = tpu.memref_slice %arg7[%add3A_48, %dma_wait3A_64] : memref<40x128xi32, #tpu.memory_space<vmem>> -> memref<1x128xi32, #tpu.memory_space<vmem>>
        %dma_wait3A_66 = tpu.memref_squeeze %dma_wait3A_65 : memref<1x128xi32, #tpu.memory_space<vmem>> -> memref<128xi32, #tpu.memory_space<vmem>>
        %dma_wait3A_67 = arith.constant 0 : i32
        %dma_wait3A_68 = arith.constant 0 : i32
        %dma_wait3A_69 = tpu.memref_slice %arg2[%dma_wait3A_67, %dma_wait3A_68] : memref<10000x128xf32, #tpu.memory_space<hbm>> -> memref<10000x128xf32, #tpu.memory_space<hbm>>
        tpu.wait_indirect_dma semaphore(%arg13 : memref<!tpu.dma_semaphore, #tpu.memory_space<semaphore_mem>>) src(%dma_wait3A_69 : memref<10000x128xf32, #tpu.memory_space<hbm>>) dst(%arg10 : memref<128x128xf32, #tpu.memory_space<vmem>>)
        "tpu.region"() ({
          %run_scoped3A = tpu.sem_alloc : memref<!tpu.dma_semaphore, #tpu.memory_space<semaphore_mem>>
          %dma_start3A_70 = arith.constant 0 : i32
          %dma_start3A_71 = tpu.memref_slice %arg8[%add3A_48, %dma_start3A_70] : memref<40x128xi32, #tpu.memory_space<vmem>> -> memref<1x128xi32, #tpu.memory_space<vmem>>
          %dma_start3A_72 = tpu.memref_squeeze %dma_start3A_71 : memref<1x128xi32, #tpu.memory_space<vmem>> -> memref<128xi32, #tpu.memory_space<vmem>>
          %dma_start3A_73 = arith.constant 0 : i32
          %dma_start3A_74 = arith.constant 0 : i32
          %dma_start3A_75 = tpu.memref_slice %arg11[%dma_start3A_73, %dma_start3A_74] : memref<10240x128xf32, #tpu.memory_space<vmem_shared>> -> memref<10240x128xf32, #tpu.memory_space<vmem_shared>>
          tpu.enqueue_indirect_dma source(%arg10 : memref<128x128xf32, #tpu.memory_space<vmem>>) target(%dma_start3A_75 : memref<10240x128xf32, #tpu.memory_space<vmem_shared>>) offsets(%dma_start3A_72 : memref<128xi32, #tpu.memory_space<vmem>>) semaphore(%run_scoped3A : memref<!tpu.dma_semaphore, #tpu.memory_space<semaphore_mem>>) {add = true}
          %dma_wait3A_76 = arith.constant 0 : i32
          %dma_wait3A_77 = tpu.memref_slice %arg8[%add3A_48, %dma_wait3A_76] : memref<40x128xi32, #tpu.memory_space<vmem>> -> memref<1x128xi32, #tpu.memory_space<vmem>>
          %dma_wait3A_78 = tpu.memref_squeeze %dma_wait3A_77 : memref<1x128xi32, #tpu.memory_space<vmem>> -> memref<128xi32, #tpu.memory_space<vmem>>
          %dma_wait3A_79 = arith.constant 0 : i32
          %dma_wait3A_80 = arith.constant 0 : i32
          %dma_wait3A_81 = tpu.memref_slice %arg11[%dma_wait3A_79, %dma_wait3A_80] : memref<10240x128xf32, #tpu.memory_space<vmem_shared>> -> memref<10240x128xf32, #tpu.memory_space<vmem_shared>>
          tpu.wait_indirect_dma semaphore(%run_scoped3A : memref<!tpu.dma_semaphore, #tpu.memory_space<semaphore_mem>>) src(%arg10 : memref<128x128xf32, #tpu.memory_space<vmem>>) dst(%dma_wait3A_81 : memref<10240x128xf32, #tpu.memory_space<vmem_shared>>)
          tpu.yield
        }) : () -> ()
      }
      %scan3A_39 = arith.constant 20 : i32
    }
    %scan3A_11 = arith.constant 2 : i32
    %barrier3A_12 = arith.constant 0 : index
    tpu.barrier barrier_id(%barrier3A_12)
    %mul3A_13 = arith.constant 640 : i32
    %mul3A_14 = arith.muli %arg1, %mul3A_13 : i32
    %mul3A_15 = arith.constant 10240 : i32
    %mul3A_16 = arith.muli %arg0, %mul3A_15 : i32
    %mul3A_17 = arith.constant 640 : i32
    %mul3A_18 = arith.muli %arg1, %mul3A_17 : i32
    %add3A_19 = arith.addi %mul3A_16, %mul3A_18 : i32
    "tpu.region"() ({
      %run_scoped3A = tpu.sem_alloc : memref<!tpu.dma_semaphore, #tpu.memory_space<semaphore_mem>>
      %dma_start3A = arith.constant 0 : i32
      %dma_start3A_20 = tpu.memref_slice %arg6[%add3A_19, %dma_start3A] : memref<20480x128xf32, #tpu.memory_space<hbm>> -> memref<640x128xf32, #tpu.memory_space<hbm>>
      %dma_start3A_21 = arith.constant 0 : i32
      %dma_start3A_22 = tpu.memref_slice %arg11[%mul3A_14, %dma_start3A_21] : memref<10240x128xf32, #tpu.memory_space<vmem_shared>> -> memref<640x128xf32, #tpu.memory_space<vmem_shared>>
      tpu.enqueue_dma source(%dma_start3A_22 : memref<640x128xf32, #tpu.memory_space<vmem_shared>>) target(%dma_start3A_20 : memref<640x128xf32, #tpu.memory_space<hbm>>) target_semaphore(%run_scoped3A : memref<!tpu.dma_semaphore, #tpu.memory_space<semaphore_mem>>)
      %dma_wait3A = arith.constant 0 : i32
      %dma_wait3A_23 = tpu.memref_slice %arg6[%add3A_19, %dma_wait3A] : memref<20480x128xf32, #tpu.memory_space<hbm>> -> memref<640x128xf32, #tpu.memory_space<hbm>>
      %dma_wait3A_24 = arith.constant 0 : i32
      %dma_wait3A_25 = tpu.memref_slice %arg11[%mul3A_14, %dma_wait3A_24] : memref<10240x128xf32, #tpu.memory_space<vmem_shared>> -> memref<640x128xf32, #tpu.memory_space<vmem_shared>>
      tpu.wait_dma2 semaphore(%run_scoped3A : memref<!tpu.dma_semaphore, #tpu.memory_space<semaphore_mem>>) src(%dma_wait3A_25 : memref<640x128xf32, #tpu.memory_space<vmem_shared>>) dst(%dma_wait3A_23 : memref<640x128xf32, #tpu.memory_space<hbm>>)
      tpu.yield
    }) : () -> ()
    return
  }
}

module attributes {stable_mosaic.version = 14 : i64} {
  func.func @body(%arg0: i32, %arg1: memref<2000x128xf32, #tpu.memory_space<vmem>>, %arg2: memref<128x128xf32, #tpu.memory_space<vmem>>, %arg3: memref<2x2000x128xf32, #tpu.memory_space<vmem>>, %arg4: memref<2000x128xf32, #tpu.memory_space<vmem>>, %arg5: memref<1x1x2000xf32, #tpu.memory_space<vmem>>) attributes {dimension_semantics = [#tpu.dimension_semantics<arbitrary>], iteration_bounds = array<i64: 5>, scalar_prefetch = 0 : i64, scratch_operands = 0 : i64, tpu.core_type = #tpu.core_type<tc>, window_params = [{transform_indices = @transform_0, window_bounds = array<i64: 2000, 128>}, {pipeline_mode = #tpu.pipeline_mode<synchronous>, transform_indices = @transform_1, window_bounds = array<i64: 128, 128>}, {transform_indices = @transform_2, window_bounds = array<i64: 2, 2000, 128>}, {transform_indices = @transform_3, window_bounds = array<i64: 2000, 128>}, {transform_indices = @transform_4, window_bounds = array<i64: 1, 1, 2000>}]} {
    %get3A = arith.constant 0 : index
    %get3A_0 = arith.constant 0 : index
    %get3A_1 = arith.constant 0 : index
    %get3A_2 = vector.load %arg3[%get3A, %get3A_0, %get3A_1] : memref<2x2000x128xf32, #tpu.memory_space<vmem>>, vector<2x2000x128xf32>
    %slice3A = vector.extract_strided_slice %get3A_2 {offsets = [0, 0, 0], sizes = [1, 2000, 128], strides = [1, 1, 1]} : vector<2x2000x128xf32> to vector<1x2000x128xf32>
    %squeeze3A = vector.shape_cast %slice3A : vector<1x2000x128xf32> to vector<2000x128xf32>
    %slice3A_3 = vector.extract_strided_slice %get3A_2 {offsets = [1, 0, 0], sizes = [1, 2000, 128], strides = [1, 1, 1]} : vector<2x2000x128xf32> to vector<1x2000x128xf32>
    %squeeze3A_4 = vector.shape_cast %slice3A_3 : vector<1x2000x128xf32> to vector<2000x128xf32>
    %add3A = arith.addf %squeeze3A, %squeeze3A_4 : vector<2000x128xf32>
    %reduce_sum3A = arith.constant dense<0.000000e+00> : vector<2000xf32>
    %reduce_sum3A_5 = vector.multi_reduction <add>, %add3A, %reduce_sum3A [1] : vector<2000x128xf32> to vector<2000xf32>
    %mul3A = arith.constant 7.812500e-03 : f32
    %mul3A_6 = vector.broadcast %mul3A : f32 to vector<2000xf32>
    %mul3A_7 = arith.mulf %reduce_sum3A_5, %mul3A_6 : vector<2000xf32>
    %add3A_8 = arith.constant 1.000000e+00 : f32
    %add3A_9 = vector.broadcast %add3A_8 : f32 to vector<2000xf32>
    %add3A_10 = arith.addf %mul3A_7, %add3A_9 : vector<2000xf32>
    %sqrt3A = math.sqrt %add3A_10 : vector<2000xf32>
    %div3A = arith.constant 1.000000e+00 : f32
    %div3A_11 = vector.broadcast %div3A : f32 to vector<2000xf32>
    %div3A_12 = arith.divf %div3A_11, %sqrt3A : vector<2000xf32>
    %get3A_13 = arith.constant 0 : index
    %get3A_14 = arith.constant 0 : index
    %get3A_15 = vector.load %arg1[%get3A_13, %get3A_14] : memref<2000x128xf32, #tpu.memory_space<vmem>>, vector<2000x128xf32>
    %get3A_16 = arith.constant 0 : index
    %get3A_17 = arith.constant 0 : index
    %get3A_18 = vector.load %arg2[%get3A_16, %get3A_17] : memref<128x128xf32, #tpu.memory_space<vmem>>, vector<128x128xf32>
    %dot_general3A = arith.constant dense<0.000000e+00> : vector<2000x128xf32>
    %dot_general3A_19 = tpu.matmul %get3A_15, %get3A_18, %dot_general3A {dimension_numbers = #tpu.dot_dimension_numbers<[1], [0], [0], [1], [0, 0, 1, 1], [], []>, transpose_lhs_hint = false} : vector<2000x128xf32>, vector<128x128xf32>, vector<2000x128xf32> -> vector<2000x128xf32>
    %broadcast_in_dim3A = vector.shape_cast %div3A_12 : vector<2000xf32> to vector<2000x1xf32>
    %mul3A_20 = vector.broadcast %broadcast_in_dim3A : vector<2000x1xf32> to vector<2000x128xf32>
    %mul3A_21 = arith.mulf %dot_general3A_19, %mul3A_20 : vector<2000x128xf32>
    %swap3A = arith.constant 0 : index
    %swap3A_22 = arith.constant 0 : index
    %swap3A_23 = vector.load %arg4[%swap3A, %swap3A_22] : memref<2000x128xf32, #tpu.memory_space<vmem>>, vector<2000x128xf32>
    tpu.vector_store %arg4[%swap3A, %swap3A_22], %mul3A_21 {strides = array<i32>} : memref<2000x128xf32, #tpu.memory_space<vmem>>, vector<2000x128xf32>,
    %swap3A_24 = arith.constant 0 : index
    %swap3A_25 = arith.constant 0 : index
    %swap3A_26 = arith.constant 0 : index
    %swap3A_27 = vector.load %arg5[%swap3A_24, %swap3A_25, %swap3A_26] : memref<1x1x2000xf32, #tpu.memory_space<vmem>>, vector<1x1x2000xf32>
    %swap3A_28 = vector.shape_cast %swap3A_27 : vector<1x1x2000xf32> to vector<2000xf32>
    %swap3A_29 = vector.shape_cast %div3A_12 : vector<2000xf32> to vector<1x1x2000xf32>
    tpu.vector_store %arg5[%swap3A_24, %swap3A_25, %swap3A_26], %swap3A_29 {strides = array<i32>} : memref<1x1x2000xf32, #tpu.memory_space<vmem>>, vector<1x1x2000xf32>,
    return
  }
  func.func @transform_0(%arg0: i32) -> (i32, i32) {
    %c0_i32 = arith.constant 0 : i32
    %c0_i32_0 = arith.constant 0 : i32
    return %arg0, %c0_i32 : i32, i32
  }
  func.func @transform_1(%arg0: i32) -> (i32, i32) {
    %c0_i32 = arith.constant 0 : i32
    %c0_i32_0 = arith.constant 0 : i32
    %c0_i32_1 = arith.constant 0 : i32
    return %c0_i32, %c0_i32_0 : i32, i32
  }
  func.func @transform_2(%arg0: i32) -> (i32, i32, i32) {
    %c0_i32 = arith.constant 0 : i32
    %c0_i32_0 = arith.constant 0 : i32
    %c0_i32_1 = arith.constant 0 : i32
    return %c0_i32, %arg0, %c0_i32_0 : i32, i32, i32
  }
  func.func @transform_3(%arg0: i32) -> (i32, i32) {
    %c0_i32 = arith.constant 0 : i32
    %c0_i32_0 = arith.constant 0 : i32
    return %arg0, %c0_i32 : i32, i32
  }
  func.func @transform_4(%arg0: i32) -> (i32, i32, i32) {
    %c0_i32 = arith.constant 0 : i32
    %c0_i32_0 = arith.constant 0 : i32
    %c0_i32_1 = arith.constant 0 : i32
    return %arg0, %c0_i32, %c0_i32_0 : i32, i32, i32
  }
}

module attributes {stable_mosaic.version = 14 : i64} {
  func.func @body(%arg0: i32, %arg1: memref<2x2000x128xf32, #tpu.memory_space<vmem>>, %arg2: memref<2000x128xf32, #tpu.memory_space<vmem>>, %arg3: memref<1x1x2000xf32, #tpu.memory_space<vmem>>, %arg4: memref<128x128xf32, #tpu.memory_space<vmem>>, %arg5: memref<1x128xf32, #tpu.memory_space<vmem>>, %arg6: memref<2000x128xf32, #tpu.memory_space<vmem>>) attributes {dimension_semantics = [#tpu.dimension_semantics<arbitrary>], iteration_bounds = array<i64: 5>, scalar_prefetch = 0 : i64, scratch_operands = 0 : i64, tpu.core_type = #tpu.core_type<tc>, window_params = [{transform_indices = @transform_0, window_bounds = array<i64: 2, 2000, 128>}, {transform_indices = @transform_1, window_bounds = array<i64: 2000, 128>}, {transform_indices = @transform_2, window_bounds = array<i64: 1, 1, 2000>}, {pipeline_mode = #tpu.pipeline_mode<synchronous>, transform_indices = @transform_3, window_bounds = array<i64: 128, 128>}, {pipeline_mode = #tpu.pipeline_mode<synchronous>, transform_indices = @transform_4, window_bounds = array<i64: 1, 128>}, {transform_indices = @transform_5, window_bounds = array<i64: 2000, 128>}]} {
    %get3A = arith.constant 0 : index
    %get3A_0 = arith.constant 0 : index
    %get3A_1 = arith.constant 0 : index
    %get3A_2 = vector.load %arg3[%get3A, %get3A_0, %get3A_1] : memref<1x1x2000xf32, #tpu.memory_space<vmem>>, vector<1x1x2000xf32>
    %get3A_3 = vector.shape_cast %get3A_2 : vector<1x1x2000xf32> to vector<2000xf32>
    %get3A_4 = arith.constant 0 : index
    %get3A_5 = arith.constant 0 : index
    %get3A_6 = arith.constant 0 : index
    %get3A_7 = vector.load %arg1[%get3A_4, %get3A_5, %get3A_6] : memref<2x2000x128xf32, #tpu.memory_space<vmem>>, vector<2x2000x128xf32>
    %slice3A = vector.extract_strided_slice %get3A_7 {offsets = [0, 0, 0], sizes = [1, 2000, 128], strides = [1, 1, 1]} : vector<2x2000x128xf32> to vector<1x2000x128xf32>
    %squeeze3A = vector.shape_cast %slice3A : vector<1x2000x128xf32> to vector<2000x128xf32>
    %slice3A_8 = vector.extract_strided_slice %get3A_7 {offsets = [1, 0, 0], sizes = [1, 2000, 128], strides = [1, 1, 1]} : vector<2x2000x128xf32> to vector<1x2000x128xf32>
    %squeeze3A_9 = vector.shape_cast %slice3A_8 : vector<1x2000x128xf32> to vector<2000x128xf32>
    %add3A = arith.addf %squeeze3A, %squeeze3A_9 : vector<2000x128xf32>
    %get3A_10 = arith.constant 0 : index
    %get3A_11 = arith.constant 0 : index
    %get3A_12 = vector.load %arg2[%get3A_10, %get3A_11] : memref<2000x128xf32, #tpu.memory_space<vmem>>, vector<2000x128xf32>
    %add3A_13 = arith.addf %add3A, %get3A_12 : vector<2000x128xf32>
    %broadcast_in_dim3A = vector.shape_cast %get3A_3 : vector<2000xf32> to vector<2000x1xf32>
    %mul3A = vector.broadcast %broadcast_in_dim3A : vector<2000x1xf32> to vector<2000x128xf32>
    %mul3A_14 = arith.mulf %add3A_13, %mul3A : vector<2000x128xf32>
    %get3A_15 = arith.constant 0 : index
    %get3A_16 = arith.constant 0 : index
    %get3A_17 = vector.load %arg5[%get3A_15, %get3A_16] : memref<1x128xf32, #tpu.memory_space<vmem>>, vector<1x128xf32>
    %add3A_18 = vector.broadcast %get3A_17 : vector<1x128xf32> to vector<2000x128xf32>
    %add3A_19 = arith.addf %mul3A_14, %add3A_18 : vector<2000x128xf32>
    %max3A = arith.constant 0.000000e+00 : f32
    %max3A_20 = vector.broadcast %max3A : f32 to vector<2000x128xf32>
    %max3A_21 = arith.maximumf %add3A_19, %max3A_20 : vector<2000x128xf32>
    %get3A_22 = arith.constant 0 : index
    %get3A_23 = arith.constant 0 : index
    %get3A_24 = vector.load %arg4[%get3A_22, %get3A_23] : memref<128x128xf32, #tpu.memory_space<vmem>>, vector<128x128xf32>
    %dot_general3A = arith.constant dense<0.000000e+00> : vector<2000x128xf32>
    %dot_general3A_25 = tpu.matmul %max3A_21, %get3A_24, %dot_general3A {dimension_numbers = #tpu.dot_dimension_numbers<[1], [0], [0], [1], [0, 0, 1, 1], [], []>, transpose_lhs_hint = false} : vector<2000x128xf32>, vector<128x128xf32>, vector<2000x128xf32> -> vector<2000x128xf32>
    %broadcast_in_dim3A_26 = vector.shape_cast %get3A_3 : vector<2000xf32> to vector<2000x1xf32>
    %mul3A_27 = vector.broadcast %broadcast_in_dim3A_26 : vector<2000x1xf32> to vector<2000x128xf32>
    %mul3A_28 = arith.mulf %dot_general3A_25, %mul3A_27 : vector<2000x128xf32>
    %swap3A = arith.constant 0 : index
    %swap3A_29 = arith.constant 0 : index
    %swap3A_30 = vector.load %arg6[%swap3A, %swap3A_29] : memref<2000x128xf32, #tpu.memory_space<vmem>>, vector<2000x128xf32>
    tpu.vector_store %arg6[%swap3A, %swap3A_29], %mul3A_28 {strides = array<i32>} : memref<2000x128xf32, #tpu.memory_space<vmem>>, vector<2000x128xf32>,
    return
  }
  func.func @transform_0(%arg0: i32) -> (i32, i32, i32) {
    %c0_i32 = arith.constant 0 : i32
    %c0_i32_0 = arith.constant 0 : i32
    %c0_i32_1 = arith.constant 0 : i32
    return %c0_i32, %arg0, %c0_i32_0 : i32, i32, i32
  }
  func.func @transform_1(%arg0: i32) -> (i32, i32) {
    %c0_i32 = arith.constant 0 : i32
    %c0_i32_0 = arith.constant 0 : i32
    return %arg0, %c0_i32 : i32, i32
  }
  func.func @transform_2(%arg0: i32) -> (i32, i32, i32) {
    %c0_i32 = arith.constant 0 : i32
    %c0_i32_0 = arith.constant 0 : i32
    %c0_i32_1 = arith.constant 0 : i32
    return %arg0, %c0_i32, %c0_i32_0 : i32, i32, i32
  }
  func.func @transform_3(%arg0: i32) -> (i32, i32) {
    %c0_i32 = arith.constant 0 : i32
    %c0_i32_0 = arith.constant 0 : i32
    %c0_i32_1 = arith.constant 0 : i32
    return %c0_i32, %c0_i32_0 : i32, i32
  }
  func.func @transform_4(%arg0: i32) -> (i32, i32) {
    %c0_i32 = arith.constant 0 : i32
    %c0_i32_0 = arith.constant 0 : i32
    %c0_i32_1 = arith.constant 0 : i32
    return %c0_i32, %c0_i32_0 : i32, i32
  }
  func.func @transform_5(%arg0: i32) -> (i32, i32) {
    %c0_i32 = arith.constant 0 : i32
    %c0_i32_0 = arith.constant 0 : i32
    return %arg0, %c0_i32 : i32, i32
  }
}

module attributes {stable_mosaic.version = 14 : i64} {
  func.func @body(%arg0: i32, %arg1: memref<2x2000x128xf32, #tpu.memory_space<vmem>>, %arg2: memref<2000x128xf32, #tpu.memory_space<vmem>>, %arg3: memref<1x1x2000xf32, #tpu.memory_space<vmem>>, %arg4: memref<1x128xf32, #tpu.memory_space<vmem>>, %arg5: memref<1x1x2000xi32, #tpu.memory_space<vmem>>, %arg6: memref<64x128xf32, #tpu.memory_space<vmem>>, %arg7: memref<64x128xf32, #tpu.memory_space<vmem>>, %arg8: memref<64x128xf32, #tpu.memory_space<vmem>>) attributes {dimension_semantics = [#tpu.dimension_semantics<arbitrary>], iteration_bounds = array<i64: 5>, scalar_prefetch = 0 : i64, scratch_operands = 2 : i64, tpu.core_type = #tpu.core_type<tc>, window_params = [{transform_indices = @transform_0, window_bounds = array<i64: 2, 2000, 128>}, {transform_indices = @transform_1, window_bounds = array<i64: 2000, 128>}, {transform_indices = @transform_2, window_bounds = array<i64: 1, 1, 2000>}, {pipeline_mode = #tpu.pipeline_mode<synchronous>, transform_indices = @transform_3, window_bounds = array<i64: 1, 128>}, {transform_indices = @transform_4, window_bounds = array<i64: 1, 1, 2000>}, {pipeline_mode = #tpu.pipeline_mode<synchronous>, transform_indices = @transform_5, window_bounds = array<i64: 64, 128>}]} {
    %get3A = arith.constant 0 : index
    %get3A_0 = arith.constant 0 : index
    %get3A_1 = arith.constant 0 : index
    %get3A_2 = vector.load %arg3[%get3A, %get3A_0, %get3A_1] : memref<1x1x2000xf32, #tpu.memory_space<vmem>>, vector<1x1x2000xf32>
    %get3A_3 = vector.shape_cast %get3A_2 : vector<1x1x2000xf32> to vector<2000xf32>
    %get3A_4 = arith.constant 0 : index
    %get3A_5 = arith.constant 0 : index
    %get3A_6 = arith.constant 0 : index
    %get3A_7 = vector.load %arg1[%get3A_4, %get3A_5, %get3A_6] : memref<2x2000x128xf32, #tpu.memory_space<vmem>>, vector<2x2000x128xf32>
    %slice3A = vector.extract_strided_slice %get3A_7 {offsets = [0, 0, 0], sizes = [1, 2000, 128], strides = [1, 1, 1]} : vector<2x2000x128xf32> to vector<1x2000x128xf32>
    %squeeze3A = vector.shape_cast %slice3A : vector<1x2000x128xf32> to vector<2000x128xf32>
    %slice3A_8 = vector.extract_strided_slice %get3A_7 {offsets = [1, 0, 0], sizes = [1, 2000, 128], strides = [1, 1, 1]} : vector<2x2000x128xf32> to vector<1x2000x128xf32>
    %squeeze3A_9 = vector.shape_cast %slice3A_8 : vector<1x2000x128xf32> to vector<2000x128xf32>
    %add3A = arith.addf %squeeze3A, %squeeze3A_9 : vector<2000x128xf32>
    %get3A_10 = arith.constant 0 : index
    %get3A_11 = arith.constant 0 : index
    %get3A_12 = vector.load %arg2[%get3A_10, %get3A_11] : memref<2000x128xf32, #tpu.memory_space<vmem>>, vector<2000x128xf32>
    %add3A_13 = arith.addf %add3A, %get3A_12 : vector<2000x128xf32>
    %broadcast_in_dim3A = vector.shape_cast %get3A_3 : vector<2000xf32> to vector<2000x1xf32>
    %mul3A = vector.broadcast %broadcast_in_dim3A : vector<2000x1xf32> to vector<2000x128xf32>
    %mul3A_14 = arith.mulf %add3A_13, %mul3A : vector<2000x128xf32>
    %get3A_15 = arith.constant 0 : index
    %get3A_16 = arith.constant 0 : index
    %get3A_17 = vector.load %arg4[%get3A_15, %get3A_16] : memref<1x128xf32, #tpu.memory_space<vmem>>, vector<1x128xf32>
    %add3A_18 = vector.broadcast %get3A_17 : vector<1x128xf32> to vector<2000x128xf32>
    %add3A_19 = arith.addf %mul3A_14, %add3A_18 : vector<2000x128xf32>
    %get3A_20 = arith.constant 0 : index
    %get3A_21 = arith.constant 0 : index
    %get3A_22 = arith.constant 0 : index
    %get3A_23 = vector.load %arg5[%get3A_20, %get3A_21, %get3A_22] : memref<1x1x2000xi32, #tpu.memory_space<vmem>>, vector<1x1x2000xi32>
    %get3A_24 = vector.shape_cast %get3A_23 : vector<1x1x2000xi32> to vector<2000xi32>
    %iota3A = tpu.iota {dimensions = array<i32: 0>} : vector<64x2000xi32>
    %broadcast_in_dim3A_25 = vector.shape_cast %get3A_24 : vector<2000xi32> to vector<1x2000xi32>
    %eq3A = vector.broadcast %broadcast_in_dim3A_25 : vector<1x2000xi32> to vector<64x2000xi32>
    %eq3A_26 = arith.cmpi eq, %iota3A, %eq3A : vector<64x2000xi32>
    %convert_element_type3A = arith.extui %eq3A_26 : vector<64x2000xi1> to vector<64x2000xi32>
    %convert_element_type3A_27 = arith.sitofp %convert_element_type3A : vector<64x2000xi32> to vector<64x2000xf32>
    %dot_general3A = arith.constant dense<0.000000e+00> : vector<64x128xf32>
    %dot_general3A_28 = tpu.matmul %convert_element_type3A_27, %add3A_19, %dot_general3A {dimension_numbers = #tpu.dot_dimension_numbers<[1], [0], [0], [1], [0, 0, 1, 1], [], []>, transpose_lhs_hint = false} : vector<64x2000xf32>, vector<2000x128xf32>, vector<64x128xf32> -> vector<64x128xf32>
    %reduce_sum3A = arith.constant dense<0.000000e+00> : vector<64xf32>
    %reduce_sum3A_29 = vector.multi_reduction <add>, %convert_element_type3A_27, %reduce_sum3A [1] : vector<64x2000xf32> to vector<64xf32>
    %broadcast_in_dim3A_30 = vector.shape_cast %reduce_sum3A_29 : vector<64xf32> to vector<64x1xf32>
    %eq3A_31 = arith.constant 0 : i32
    %eq3A_32 = arith.cmpi eq, %arg0, %eq3A_31 : i32
    %convert_element_type3A_33 = arith.extui %eq3A_32 : i1 to i32
    %cond3A = arith.constant 0 : i32
    %cond3A_34 = arith.cmpi ne, %convert_element_type3A_33, %cond3A : i32
    scf.if %cond3A_34 {
      %broadcast_in_dim3A_55 = arith.constant 0.000000e+00 : f32
      %broadcast_in_dim3A_56 = vector.broadcast %broadcast_in_dim3A_55 : f32 to vector<64x128xf32>
      %swap3A_57 = arith.constant 0 : index
      %swap3A_58 = arith.constant 0 : index
      %swap3A_59 = vector.load %arg7[%swap3A_57, %swap3A_58] : memref<64x128xf32, #tpu.memory_space<vmem>>, vector<64x128xf32>
      tpu.vector_store %arg7[%swap3A_57, %swap3A_58], %broadcast_in_dim3A_56 {strides = array<i32>} : memref<64x128xf32, #tpu.memory_space<vmem>>, vector<64x128xf32>,
      %broadcast_in_dim3A_60 = arith.constant 0.000000e+00 : f32
      %broadcast_in_dim3A_61 = vector.broadcast %broadcast_in_dim3A_60 : f32 to vector<64x128xf32>
      %swap3A_62 = arith.constant 0 : index
      %swap3A_63 = arith.constant 0 : index
      %swap3A_64 = vector.load %arg8[%swap3A_62, %swap3A_63] : memref<64x128xf32, #tpu.memory_space<vmem>>, vector<64x128xf32>
      tpu.vector_store %arg8[%swap3A_62, %swap3A_63], %broadcast_in_dim3A_61 {strides = array<i32>} : memref<64x128xf32, #tpu.memory_space<vmem>>, vector<64x128xf32>,
    } else {
    }
    %get3A_35 = arith.constant 0 : index
    %get3A_36 = arith.constant 0 : index
    %get3A_37 = vector.load %arg7[%get3A_35, %get3A_36] : memref<64x128xf32, #tpu.memory_space<vmem>>, vector<64x128xf32>
    %add3A_38 = arith.addf %get3A_37, %dot_general3A_28 : vector<64x128xf32>
    %swap3A = arith.constant 0 : index
    %swap3A_39 = arith.constant 0 : index
    %swap3A_40 = vector.load %arg7[%swap3A, %swap3A_39] : memref<64x128xf32, #tpu.memory_space<vmem>>, vector<64x128xf32>
    tpu.vector_store %arg7[%swap3A, %swap3A_39], %add3A_38 {strides = array<i32>} : memref<64x128xf32, #tpu.memory_space<vmem>>, vector<64x128xf32>,
    %get3A_41 = arith.constant 0 : index
    %get3A_42 = arith.constant 0 : index
    %get3A_43 = vector.load %arg8[%get3A_41, %get3A_42] : memref<64x128xf32, #tpu.memory_space<vmem>>, vector<64x128xf32>
    %broadcast_in_dim3A_44 = vector.shape_cast %broadcast_in_dim3A_30 : vector<64x1xf32> to vector<64x1xf32>
    %broadcast_in_dim3A_45 = vector.broadcast %broadcast_in_dim3A_44 : vector<64x1xf32> to vector<64x128xf32>
    %add3A_46 = arith.addf %get3A_43, %broadcast_in_dim3A_45 : vector<64x128xf32>
    %swap3A_47 = arith.constant 0 : index
    %swap3A_48 = arith.constant 0 : index
    %swap3A_49 = vector.load %arg8[%swap3A_47, %swap3A_48] : memref<64x128xf32, #tpu.memory_space<vmem>>, vector<64x128xf32>
    tpu.vector_store %arg8[%swap3A_47, %swap3A_48], %add3A_46 {strides = array<i32>} : memref<64x128xf32, #tpu.memory_space<vmem>>, vector<64x128xf32>,
    %eq3A_50 = arith.constant 4 : i32
    %eq3A_51 = arith.cmpi eq, %arg0, %eq3A_50 : i32
    %convert_element_type3A_52 = arith.extui %eq3A_51 : i1 to i32
    %cond3A_53 = arith.constant 0 : i32
    %cond3A_54 = arith.cmpi ne, %convert_element_type3A_52, %cond3A_53 : i32
    scf.if %cond3A_54 {
      %get3A_55 = arith.constant 0 : index
      %get3A_56 = arith.constant 0 : index
      %get3A_57 = vector.load %arg7[%get3A_55, %get3A_56] : memref<64x128xf32, #tpu.memory_space<vmem>>, vector<64x128xf32>
      %get3A_58 = arith.constant 0 : index
      %get3A_59 = arith.constant 0 : index
      %get3A_60 = vector.load %arg8[%get3A_58, %get3A_59] : memref<64x128xf32, #tpu.memory_space<vmem>>, vector<64x128xf32>
      %max3A = arith.constant 1.000000e+00 : f32
      %max3A_61 = vector.broadcast %max3A : f32 to vector<64x128xf32>
      %max3A_62 = arith.maximumf %get3A_60, %max3A_61 : vector<64x128xf32>
      %div3A = arith.divf %get3A_57, %max3A_62 : vector<64x128xf32>
      %swap3A_63 = arith.constant 0 : index
      %swap3A_64 = arith.constant 0 : index
      %swap3A_65 = vector.load %arg6[%swap3A_63, %swap3A_64] : memref<64x128xf32, #tpu.memory_space<vmem>>, vector<64x128xf32>
      tpu.vector_store %arg6[%swap3A_63, %swap3A_64], %div3A {strides = array<i32>} : memref<64x128xf32, #tpu.memory_space<vmem>>, vector<64x128xf32>,
    } else {
    }
    return
  }
  func.func @transform_0(%arg0: i32) -> (i32, i32, i32) {
    %c0_i32 = arith.constant 0 : i32
    %c0_i32_0 = arith.constant 0 : i32
    %c0_i32_1 = arith.constant 0 : i32
    return %c0_i32, %arg0, %c0_i32_0 : i32, i32, i32
  }
  func.func @transform_1(%arg0: i32) -> (i32, i32) {
    %c0_i32 = arith.constant 0 : i32
    %c0_i32_0 = arith.constant 0 : i32
    return %arg0, %c0_i32 : i32, i32
  }
  func.func @transform_2(%arg0: i32) -> (i32, i32, i32) {
    %c0_i32 = arith.constant 0 : i32
    %c0_i32_0 = arith.constant 0 : i32
    %c0_i32_1 = arith.constant 0 : i32
    return %arg0, %c0_i32, %c0_i32_0 : i32, i32, i32
  }
  func.func @transform_3(%arg0: i32) -> (i32, i32) {
    %c0_i32 = arith.constant 0 : i32
    %c0_i32_0 = arith.constant 0 : i32
    %c0_i32_1 = arith.constant 0 : i32
    return %c0_i32, %c0_i32_0 : i32, i32
  }
  func.func @transform_4(%arg0: i32) -> (i32, i32, i32) {
    %c0_i32 = arith.constant 0 : i32
    %c0_i32_0 = arith.constant 0 : i32
    %c0_i32_1 = arith.constant 0 : i32
    return %arg0, %c0_i32, %c0_i32_0 : i32, i32, i32
  }
  func.func @transform_5(%arg0: i32) -> (i32, i32) {
    %c0_i32 = arith.constant 0 : i32
    %c0_i32_0 = arith.constant 0 : i32
    %c0_i32_1 = arith.constant 0 : i32
    return %c0_i32, %c0_i32_0 : i32, i32
  }
}

</mosaic_0001>

<sc_bundles>
// kernel: kernel.11.cloned.1.call-start
scs
__scs_entry_jumppad:
0x0: {  	(pc) =	sbr.rel $0x88, $3  }
0x1: {  	(tag) =	ssettag $0x0;
	lr =	simm.s32 $0x1  }
0x2: {  	[smem:$0x3F9A] =	sst lr;
	_ =	strace $0xD0000000  }
0x3: {  	_ = 	snop  }
0x4: {  	_ = 	snop  }
0x5: {  	_ = 	snop  }
0x6: {  	_ = 	snop  }
0x7: {  	_ = 	snop  }
__scs_overlays_trampoline_lowered:
0x8: {  	[smem:$0x3FA9] =	sst s0  }
0x9: {  	[smem:$0x3FAA] =	sst s1  }
0xa: {  	[smem:$0x3FAB] =	sst s2  }
0xb: {  	[smem:$0x3FAC] =	sst s3  }
0xc: {  	[smem:$0x3FAD] =	sst s4  }
0xd: {  	[smem:$0x3FAE] =	sst s5  }
0xe: {  	[smem:$0x3FAF] =	sst s6  }
0xf: {  	[smem:$0x3FB0] =	sst s7  }
0x10: {  	[smem:$0x3FB1] =	sst s8  }
0x11: {  	[smem:$0x3FB2] =	sst s9;
	s0 =	simm.s32 @!p0 $0x0  }
0x12: {  	s1 =	sld [smem:$0x3F98];
	s0 =	simm.s32 @p0 $0x1  }
0x13: {  	[smem:$0x3FB3] =	sst s0;
	s0 =	simm.s32 @!p1 $0x0  }
0x14: {  	s2 =	sld [smem:$0x3F97];
	s0 =	simm.s32 @p1 $0x1  }
0x15: {  	[smem:$0x3FB4] =	sst s0;
	s0 =	simm.s32 @!p2 $0x0  }
0x16: {  	s3 =	sld [smem:$0x3FDB];
	s0 =	simm.s32 @p2 $0x1  }
0x17: {  	s4 =	simm.s32 $0x1BF5;
	[smem:$0x3FB6] =	sst s0  }
0x18: {  	s0 =	sld [smem:$0x3F99];
	_ =	swait.ge [sflag:s4], $0x0  }
0x19: {  	s7 =	sld [smem:$0x3F9A]  }
0x1a: {  	s8 =	sadd.s32 $0xFFFFE003, lr  }
0x1b: {  	s9 =	sadd.s32 $0xFFFFFEF7, lr;
	s5 =	simm.s32 $0xFFFFFFFF;
	p2 =	slt.u32 s8, $0xFFFFF086  }
0x1c: {  	p1 =	slt.u32 s9, $0xF7A;
	s5 =	simm.s32 @!p2 $0x0  }
0x1d: {  	s5 =	simm.s32 @p1 $0x1;
	p0 =	seq.s32 s7, s2  }
0x1e: {  	s7 =	smul.u32 @!p0 $0xF7A, s2;
	p2 =	seq.s32 @!p0 s5, $0x0  }
0x1f: {  	s9 =	smul.u32 $0xF7A, s1;
	s8 =	simm.s32 @!p0 $0x1BF5;
	p2 =	por !p2, p0  }
0x20: {  	[sflag:s8] =	ssyncset.s32 @!p0 $0xFFFFF086;
	s6 =	sadd.s32 @!p0 s3, s7;
	s7 =	simm.s32 @!p0 $0x108  }
0x21: {  	s3 =	sadd.s32 s3, s9;
	s6 =	sadd.s32 @!p0 $0x88, s6;
	s7 =	simm.s32 @p2 $0x1082  }
0x22: {  	[simem:s7], [sflag:s8] =	dma.local @!p0 [hbm:s6], $0xF7A  }
0x23: {  	s9 =	sor.u32 $0xD0000000, s2;
	s6 =	simm.s32 $0x108;
	_ =	swait.ge @!p0 [sflag:s8], $0x0  }
0x24: {  	s3 =	sadd.s32 $0x88, s3;
	s6 =	simm.s32 @!p1 $0x1082;
	[sflag:s4] =	ssyncset.s32 $0xFFFFF086  }
0x25: {  	[simem:s6], [sflag:s4] =	dma.local [hbm:s3], $0xF7A  }
0x26: {  	[smem:$0x3F9A] =	sst s1;
	(tag) =	ssettag s2;
	_ =	strace s9  }
0x27: {  	s1 =	sld [smem:$0x3FAA]  }
0x28: {  	s2 =	sld [smem:$0x3FAB]  }
0x29: {  	s4 =	sld [smem:$0x3FAD]  }
0x2a: {  	p0 =	seq.s32 s5, $0x0;
	s5 =	sld [smem:$0x3FAE]  }
0x2b: {  	s6 =	sld [smem:$0x3FAF]  }
0x2c: {  	s7 =	sld [smem:$0x3FB0]  }
0x2d: {  	s3 =	simm.s32 $0x108;
	s8 =	sld [smem:$0x3FB1]  }
0x2e: {  	s3 =	simm.s32 @!p0 $0x1082;
	s9 =	sld [smem:$0x3FB2]  }
0x2f: {  	lr =	sadd.s32 s0, s3;
	s0 =	sld [smem:$0x3FA9]  }
0x30: {  	s3 =	sld [smem:$0x3FAC]  }
0x31: {  	[smem:$0x3FB5] =	sst s10  }
0x32: {  	s10 =	sld [smem:$0x3FB3];
	_ =	sdelay $0x3  }
0x33: {  	p0 =	seq.s32 s10, $0x1;
	s10 =	sld [smem:$0x3FB5];
	_ =	sdelay $0x3  }
0x34: {  	[smem:$0x3FB5] =	sst s10  }
0x35: {  	s10 =	sld [smem:$0x3FB4];
	_ =	sdelay $0x3  }
0x36: {  	p1 =	seq.s32 s10, $0x1;
	s10 =	sld [smem:$0x3FB5];
	_ =	sdelay $0x3  }
0x37: {  	[smem:$0x3FB5] =	sst s10  }
0x38: {  	s10 =	sld [smem:$0x3FB6]  }
0x39: {  	_ = 	snop;
	(pc) =	sbr.ind lr, $3  }
0x3a: {  	_ = 	snop  }
0x3b: {  	_ = 	snop  }
0x3c: {  	p2 =	seq.s32 s10, $0x1;
	s10 =	sld [smem:$0x3FB5]  }
0x3d: {  	_ =	shalt  }
0x3e: {  	_ =	shalt  }
0x3f: {  	_ =	shalt  }
0x40: {  	_ =	shalt  }
0x41: {  	_ =	shalt  }
0x42: {  	_ =	shalt  }
0x43: {  	_ =	shalt  }
0x44: {  	_ =	shalt  }
0x45: {  	_ =	shalt  }
0x46: {  	_ =	shalt  }
0x47: {  	_ =	shalt  }
0x48: {  	_ =	shalt  }
0x49: {  	_ =	shalt  }
0x4a: {  	_ =	shalt  }
0x4b: {  	_ =	shalt  }
0x4c: {  	_ =	shalt  }
0x4d: {  	_ =	shalt  }
0x4e: {  	_ =	shalt  }
0x4f: {  	_ =	shalt  }
0x50: {  	_ =	shalt  }
0x51: {  	_ =	shalt  }
0x52: {  	_ =	shalt  }
0x53: {  	_ =	shalt  }
0x54: {  	_ =	shalt  }
0x55: {  	_ =	shalt  }
0x56: {  	_ =	shalt  }
0x57: {  	_ =	shalt  }
0x58: {  	_ =	shalt  }
0x59: {  	_ =	shalt  }
0x5a: {  	_ =	shalt  }
0x5b: {  	_ =	shalt  }
0x5c: {  	_ =	shalt  }
0x5d: {  	_ =	shalt  }
0x5e: {  	_ =	shalt  }
0x5f: {  	_ =	shalt  }
0x60: {  	_ =	shalt  }
0x61: {  	_ =	shalt  }
0x62: {  	_ =	shalt  }
0x63: {  	_ =	shalt  }
0x64: {  	_ =	shalt  }
0x65: {  	_ =	shalt  }
0x66: {  	_ =	shalt  }
0x67: {  	_ =	shalt  }
0x68: {  	_ =	shalt  }
0x69: {  	_ =	shalt  }
0x6a: {  	_ =	shalt  }
0x6b: {  	_ =	shalt  }
0x6c: {  	_ =	shalt  }
0x6d: {  	_ =	shalt  }
0x6e: {  	_ =	shalt  }
0x6f: {  	_ =	shalt  }
0x70: {  	_ =	shalt  }
0x71: {  	_ =	shalt  }
0x72: {  	_ =	shalt  }
0x73: {  	_ =	shalt  }
0x74: {  	_ =	shalt  }
0x75: {  	_ =	shalt  }
0x76: {  	_ =	shalt  }
0x77: {  	_ =	shalt  }
0x78: {  	_ =	shalt  }
0x79: {  	_ =	shalt  }
0x7a: {  	_ =	shalt  }
0x7b: {  	_ =	shalt  }
0x7c: {  	_ =	shalt  }
0x7d: {  	_ =	shalt  }
0x7e: {  	_ =	shalt  }
0x7f: {  	_ =	shalt  }
0x80: {  	_ =	shalt  }
0x81: {  	_ =	shalt  }
0x82: {  	_ =	shalt  }
0x83: {  	_ =	shalt  }
0x84: {  	_ =	shalt  }
0x85: {  	_ =	shalt  }
0x86: {  	_ =	shalt  }
0x87: {  	_ =	shalt  }
.Lfunc_end0:
.L_simem_size_0:
called_computation.1_lowered:
.L_overlay_start_0:
0x88: {  	s2 =	sld [smem:$0x3FD9]  }
0x89: {  	s3 =	sld [smem:$0x3FFE];
	_ =	sdelay $0x1  }
0x8a: {  	s1 =	srdreg.scid  }
0x8b: {  	s0 =	sand.u32 $0x1, s1  }
0x8c: {  	s16 =	sshll.u32 s0, $0xA;
	s2 =	sadd.s32 s3, s2  }
0x8d: {  	s2 =	sadd.s32 s2, s16  }
0x8e: {  	[smem:$0x3FC1] =	sst s2  }
0x8f: {  	_ = 	snop  }
0x90: {  	(tm) =	ssettm $0x1  }
0x91: {  	s17 =	sld [smem:$0x3FFB];
	_ =	sdelay $0x3  }
0x92: {  	_ =	strace s17  }
0x93: {  	s2 =	sld [smem:$0x3FFC];
	_ =	sdelay $0x3  }
0x94: {  	_ =	strace s2  }
0x95: {  	s2 =	sld [smem:$0x3FFD];
	_ =	sdelay $0x3  }
0x96: {  	_ =	strace s2  }
0x97: {  	_ =	strace $0x8FFFFFFF  }
0x98: {  	s18 =	sld [smem:$0x3FDB];
	_ =	sdelay $0x1  }
0x99: {  	s19 =	simm.s32 $_scs_section_size  }
0x9a: {  	s4 =	simm.s32 $_size__tile_overlayer_lowered;
	s5 =	simm.s32 $_tile_overlayer_lowered  }
0x9b: {  	s22 =	simm.s32 $0x1BFF;
	s21 =	sshll.u32 s5, $0x1;
	s2 =	sadd.s32 s19, s18  }
0x9c: {  	s6 =	simm.s32 $0x0;
	s20 =	sshll.u32 s4, $0x1;
	s4 =	sadd.s32 s21, s2  }
0x9d: {  	[timem:s6], [sflag:s22] =	dma.local [hbm:s4], s20  }
0x9e: {  	_ =	swait.ge [sflag:s22], s20  }
0x9f: {  	s3 =	ssub.s32 $0x0, s20;
	[sflag:s22] =	ssyncset.done $0x0  }
0xa0: {  	[sflag:s22] =	ssyncadd.s32 s3;
	_ =	sdelay $0x1  }
0xa1: {  	s23 =	simm.s32 $0x1B8B  }
0xa2: {  	_ =	swait.ge [sflag:s23], $0x1  }
0xa3: {  	[sflag:s23] =	ssyncset.done $0x0  }
0xa4: {  	s25 =	simm.s32 $0x1B8E;
	s24 =	sld [smem:$0x3FFE];
	[sflag:s23] =	ssyncadd.s32 $0xFFFFFFFF  }
0xa5: {  	s26 =	simm.s32 $execute0_lowered;
	[smem:$0x3FD2] =	sst s25  }
0xa6: {  	s4 =	sshll.u32 s26, $0x1;
	_ =	strace $0x80000049;
	[dreg:$0x1] =	wrdreg $0xFFFFFFFF  }
0xa7: {  	s28 =	simm.s32 $_size_execute0_lowered;
	s2 =	sadd.s32 s2, s4;
	[dreg:$0x0] =	wrdreg $0x0  }
0xa8: {  	s4 =	sshll.u32 s28, $0x1;
	[dreg:$0x2] =	wrdreg s2  }
0xa9: {  	[dreg:$0x3] =	wrdreg s4  }
0xaa: {  	[dreg:$0x4] =	wrdreg $0xC0  }
0xab: {  	_ =	task [dreg:s6], $0x5FFFF  }
0xac: {  	[dreg:$0x1] =	wrdreg $0xFFFFFFFF  }
0xad: {  	[dreg:$0x0] =	wrdreg $0x60  }
0xae: {  	[dreg:$0x2] =	wrdreg s24  }
0xaf: {  	[dreg:$0x3] =	wrdreg $0xA8000  }
0xb0: {  	[dreg:$0x4] =	wrdreg $0x9  }
0xb1: {  	_ =	task.clear_ibuf [dreg:s6], $0x5FFFF;
	_ =	strace $0x90000049  }
0xb2: {  	s29 =	simm.s32 $0x9;
	_ =	strace $0x8000004B  }
0xb3: {  	_ =	swait.ge [sflag:s29], $0x1  }
0xb4: {  	[sflag:s29] =	ssyncadd.s32 $0xFFFFFFFF  }
0xb5: {  	_ =	strace $0x9000004B  }
0xb6: {  	_ =	sfence  }
0xb7: {  	s30 =	sld [smem:$0x0];
	_ =	sdelay $0x2  }
0xb8: {  	s31 =	sshll.u32 s1, $0xD;
	s1 =	sshrl.u32 s1, $0x2  }
0xb9: {  	s3 =	sand.u32 $0x4000, s31;
	s1 =	sadd.s32 s1, s30  }
0xba: {  	s0 =	sor.u32 s3, s0;
	s1 =	sshll.u32 s1, $0x11  }
0xbb: {  	s0 =	sor.u32 s1, s0  }
0xbc: {  	s0 =	sadd.s32 $0x8F2B, s0  }
0xbd: {  	[sflag:s0] =	ssyncadd.remote.s32 $0x1  }
0xbe: {  	_ =	sfence.sel $0xFFFF  }
0xbf: {  	[dreg:$0x0] =	wrdreg $0xFFFFFFFF;
	(pc) =	sbr.abs _section_cstart, $3  }
0xc0: {  	[dreg:$0x1] =	wrdreg $0xFFFFFFFF  }
0xc1: {  	_ =	task.clear_ibuf [dreg:s6], $0x2FFFF;
	_ =	strace $0x9FFFFFFF  }
0xc2: {  	(tm) =	ssettm $0x7FFFFFFF  }
0xc3: {  	_ =	shalt  }
tec
execute0_lowered:
.L_overlay_start_1:
0x0: {  	(tag) =	ssettag $0x1  }
0x1: {  	s5 =	rddreg [dreg:$0x0]  }
0x2: {  	s1 =	rddreg [dreg:$0x1]  }
0x3: {  	s2 =	srdreg.scid;
	s0 =	rddreg [dreg:$0x2]  }
0x4: {  	s3 =	simm.s32 $0x0;
	s13 =	simm.s32 $0x1400;
	s14 =	simm.s32 $0x80  }
0x5: {  	s15 =	simm.s32 $0x2800;
	s16 =	simm.s32 $0x6800;
	s17 =	simm.s32 $0x1  }
0x6: {  	s18 =	simm.s32 $0x2;
	s19 =	simm.s32 $0x1380;
	s20 =	simm.s32 $0x2700  }
0x7: {  	s21 =	simm.s32 $0x2780;
	s6 =	sand.u32 $0x1, s2;
	s2 =	stileid.u32  }
0x8: {  	s24 =	simm.s32 $0x0;
	[smem:$0x7FF] =	sst s3;
	s7 =	smul.u32 $0x2800, s6  }
0x9: {  	s4 =	sshll.u32 s2, $0x1;
	s8 =	smul.u32 $0x280, s2;
	_ =	strace $0x8000004A  }
0xa: {  	s28 =	smul.u32 $0x50000, s2;
	s31 =	sshll.u32 s2, $0x6;
	s9 =	sor.u32 s6, s4  }
0xb: {  	s4 =	sadd.s32 $0x66E00, s5;
	s6 =	ssub.s32 $0x2, s6;
	s9 =	smul.u32 $0x500, s9  }
0xc: {  	s7 =	sadd.s32 s8, s7;
	s29 =	sshrl.u32 s6, $0x1;
	s30 =	sshrl.u32 s28, $0x2  }
0xd: {  	s7 =	sshll.u32 s7, $0x4;
	s11 =	ssub.s32 s6, s29;
	s12 =	sadd.s32 s30, s1  }
0xe: {  	s6 =	sor.u32 $0x1C03, s31;
	s9 =	sadd.s32 s9, s5;
	s10 =	sadd.s32 s7, s5  }
0xf: {  	s5 =	sadd.s32 $0x16E00, s10;
	s7 =	sadd.s32 $0xCE00, s9;
	s8 =	sadd.s32 $0x2E00, s9  }
0x10: {  	s9 =	sadd.s32 $0x8E000, s10;
	s10 =	smax.u32 s11, $0x1;
	s11 =	sshrl.u32 s12, $0x3  }
0x11: {  	s12 =	simm.s32 $0x3;
	s22 =	sadd.s32 $0x280, s7;
	s23 =	sadd.s32 $0x280, s8  }
.LBB2_1:
0x12: {  	[spmem:s11], [sflag:s6] =	dma.local [hbm:s5], $0x2800  }
0x13: {  	_ =	swait.ge [sflag:s12], $0x2800  }
0x14: {  	[sflag:s12] =	ssyncset.done $0x0  }
0x15: {  	[sflag:s12] =	ssyncadd.s32 $0xFFFFD800  }
0x16: {  	[bflag:$0x0] =	sbarrier.arrive $0xFFFF  }
0x17: {  	[tilespmem:s3], [sflag:$0x3] =	stream.linear.gather [hbm4b:s7+s3], $0x1400, $0x38;
	[tilespmem:$0x1E800] =	vst v63  }
0x18: {  	_ =	swait.ge [sflag:s12], $0x1400  }
0x19: {  	[sflag:s12] =	ssyncset.done $0x0  }
0x1a: {  	[sflag:s12] =	ssyncadd.s32 $0xFFFFEC00  }
0x1b: {  	[tilespmem:s13], [sflag:$0x3] =	stream.linear.gather [hbm4b:s8+s3], $0x1400, $0x38;
	[tilespmem:$0x1E800] =	vst v63  }
0x1c: {  	_ =	swait.ge [sflag:s12], $0x1400  }
0x1d: {  	[sflag:s12] =	ssyncset.done $0x0  }
0x1e: {  	[sflag:s12] =	ssyncadd.s32 $0xFFFFEC00  }
0x1f: {  	[tilespmem:s15], [sflag:$0x1] =	stream.indirect.gather [hbm4b:s4+s14], $0x80, s3, s14, $0xb8;
	[tilespmem:$0x1E800] =	vst v63  }
0x20: {  	s25 =	simm.s32 $0x80  }
0x21: {  	[tilespmem:s16], [sflag:$0x2] =	stream.indirect.gather [hbm4b:s4+s14], $0x80, s25, s14, $0xb8;
	[tilespmem:$0x1E800] =	vst v63  }
0x22: {  	_ =	swait.ge [sflag:s17], $0x4000  }
0x23: {  	[sflag:s17] =	ssyncset.done $0x0  }
0x24: {  	s29 =	simm.s32 $0x1400;
	[sflag:s17] =	ssyncadd.s32 $0xFFFFC000  }
0x25: {  	[spmem:s1] =	stream.indirect.scatter.add.f32 [tilespmem:s15], [sflag:$0x3], $0x80, s29, s14, $0xb8;
	[tilespmem:$0x1E800] =	vst v63  }
0x26: {  	_ =	swait.ge [sflag:s12], $0x4000  }
0x27: {  	[sflag:s12] =	ssyncset.done $0x0  }
0x28: {  	s30 =	simm.s32 $0x100;
	[sflag:s12] =	ssyncadd.s32 $0xFFFFC000  }
0x29: {  	[tilespmem:s15], [sflag:$0x1] =	stream.indirect.gather [hbm4b:s4+s14], $0x80, s30, s14, $0xb8;
	[tilespmem:$0x1E800] =	vst v63  }
0x2a: {  	_ =	swait.ge [sflag:s18], $0x4000  }
0x2b: {  	[sflag:s18] =	ssyncset.done $0x0  }
0x2c: {  	s31 =	simm.s32 $0x1480;
	[sflag:s18] =	ssyncadd.s32 $0xFFFFC000  }
0x2d: {  	[spmem:s1] =	stream.indirect.scatter.add.f32 [tilespmem:s16], [sflag:$0x3], $0x80, s31, s14, $0xb8;
	[tilespmem:$0x1E800] =	vst v63  }
0x2e: {  	_ =	swait.ge [sflag:s12], $0x4000  }
0x2f: {  	s26 =	simm.s32 $0x800;
	s25 =	simm.s32 $0x100;
	[sflag:s12] =	ssyncset.done $0x0  }
.LBB2_2:
0x30: {  	s28 =	sadd.s32 $0x80, s25  }
0x31: {  	[sflag:s12] =	ssyncadd.s32 $0xFFFFC000;
	s29 =	smov.u32 s26;
	s30 =	sadd.s32 $0x400, s26  }
0x32: {  	[tilespmem:s16], [sflag:$0x2] =	stream.indirect.gather [hbm4b:s4+s14], $0x80, s28, s14, $0xb8;
	[tilespmem:$0x1E800] =	vst v63  }
0x33: {  	p0 =	sne.s32 s26, $0x4800;
	_ =	swait.ge [sflag:s17], $0x4000  }
0x34: {  	[sflag:s17] =	ssyncset.done $0x0  }
0x35: {  	s26 =	sadd.s32 $0x1400, s25;
	[sflag:s17] =	ssyncadd.s32 $0xFFFFC000  }
0x36: {  	[spmem:s1] =	stream.indirect.scatter.add.f32 [tilespmem:s15], [sflag:$0x3], $0x80, s26, s14, $0xb8;
	[tilespmem:$0x1E800] =	vst v63  }
0x37: {  	_ =	swait.ge [sflag:s12], $0x4000  }
0x38: {  	[sflag:s12] =	ssyncset.done $0x0  }
0x39: {  	s26 =	sadd.s32 $0x100, s25;
	[sflag:s12] =	ssyncadd.s32 $0xFFFFC000  }
0x3a: {  	[tilespmem:s15], [sflag:$0x1] =	stream.indirect.gather [hbm4b:s4+s14], $0x80, s26, s14, $0xb8;
	[tilespmem:$0x1E800] =	vst v63  }
0x3b: {  	_ =	swait.ge [sflag:s18], $0x4000  }
.Ltmp0:
0x3c: {  	[sflag:s18] =	ssyncset.done $0x0;
	(pc) =	sbr.rel @p0 .LBB2_2-.Ltmp0, $4  }
0x3d: {  	s25 =	sadd.s32 $0x1480, s25;
	[sflag:s18] =	ssyncadd.s32 $0xFFFFC000  }
0x3e: {  	[spmem:s1] =	stream.indirect.scatter.add.f32 [tilespmem:s16], [sflag:$0x3], $0x80, s25, s14, $0xb8;
	[tilespmem:$0x1E800] =	vst v63  }
0x3f: {  	_ =	swait.ge [sflag:s12], $0x4000  }
0x40: {  	s26 =	smov.u32 s30;
	s25 =	sshra.s32 s29, $0x2;
	[sflag:s12] =	ssyncset.done $0x0  }
0x41: {  	s26 =	sadd.s32 $0x80, s25;
	[sflag:s12] =	ssyncadd.s32 $0xFFFFC000  }
0x42: {  	[tilespmem:s16], [sflag:$0x2] =	stream.indirect.gather [hbm4b:s4+s14], $0x80, s26, s14, $0xb8;
	[tilespmem:$0x1E800] =	vst v63  }
0x43: {  	_ =	swait.ge [sflag:s17], $0x4000  }
0x44: {  	[sflag:s17] =	ssyncset.done $0x0  }
0x45: {  	s29 =	sadd.s32 $0x1400, s25;
	[sflag:s17] =	ssyncadd.s32 $0xFFFFC000  }
0x46: {  	[spmem:s1] =	stream.indirect.scatter.add.f32 [tilespmem:s15], [sflag:$0x3], $0x80, s29, s14, $0xb8;
	[tilespmem:$0x1E800] =	vst v63  }
0x47: {  	_ =	swait.ge [sflag:s12], $0x4000  }
0x48: {  	[sflag:s12] =	ssyncset.done $0x0  }
0x49: {  	s30 =	sadd.s32 $0x100, s25;
	[sflag:s12] =	ssyncadd.s32 $0xFFFFC000  }
0x4a: {  	[tilespmem:s15], [sflag:$0x1] =	stream.indirect.gather [hbm4b:s4+s14], $0x80, s30, s14, $0xb8;
	[tilespmem:$0x1E800] =	vst v63  }
0x4b: {  	_ =	swait.ge [sflag:s18], $0x4000  }
0x4c: {  	[sflag:s18] =	ssyncset.done $0x0  }
0x4d: {  	s31 =	sadd.s32 $0x1480, s25;
	[sflag:s18] =	ssyncadd.s32 $0xFFFFC000  }
0x4e: {  	[spmem:s1] =	stream.indirect.scatter.add.f32 [tilespmem:s16], [sflag:$0x3], $0x80, s31, s14, $0xb8;
	[tilespmem:$0x1E800] =	vst v63  }
0x4f: {  	_ =	swait.ge [sflag:s12], $0x4000  }
0x50: {  	[sflag:s12] =	ssyncset.done $0x0  }
0x51: {  	[sflag:s12] =	ssyncadd.s32 $0xFFFFC000  }
0x52: {  	[tilespmem:s16], [sflag:$0x2] =	stream.indirect.gather [hbm4b:s4+s14], $0x80, s19, s14, $0xb8;
	[tilespmem:$0x1E800] =	vst v63  }
0x53: {  	_ =	swait.ge [sflag:s17], $0x4000  }
0x54: {  	[sflag:s17] =	ssyncset.done $0x0  }
0x55: {  	[sflag:s17] =	ssyncadd.s32 $0xFFFFC000  }
0x56: {  	[spmem:s1] =	stream.indirect.scatter.add.f32 [tilespmem:s15], [sflag:$0x3], $0x80, s20, s14, $0xb8;
	[tilespmem:$0x1E800] =	vst v63  }
0x57: {  	_ =	swait.ge [sflag:s12], $0x4000  }
0x58: {  	[sflag:s12] =	ssyncset.done $0x0  }
0x59: {  	[sflag:s12] =	ssyncadd.s32 $0xFFFFC000  }
0x5a: {  	_ =	swait.ge [sflag:s18], $0x4000  }
0x5b: {  	[sflag:s18] =	ssyncset.done $0x0  }
0x5c: {  	[sflag:s18] =	ssyncadd.s32 $0xFFFFC000  }
0x5d: {  	[spmem:s1] =	stream.indirect.scatter.add.f32 [tilespmem:s16], [sflag:$0x3], $0x80, s21, s14, $0xb8;
	[tilespmem:$0x1E800] =	vst v63  }
0x5e: {  	_ =	swait.ge [sflag:s12], $0x4000  }
0x5f: {  	[sflag:s12] =	ssyncset.done $0x0  }
0x60: {  	s26 =	simm.s32 $0x0;
	[sflag:s12] =	ssyncadd.s32 $0xFFFFC000  }
0x61: {  	[tilespmem:s26], [sflag:$0x3] =	stream.linear.gather [hbm4b:s22+s26], $0x1400, $0x38;
	[tilespmem:$0x1E800] =	vst v63  }
0x62: {  	_ =	swait.ge [sflag:s12], $0x1400  }
0x63: {  	[sflag:s12] =	ssyncset.done $0x0  }
0x64: {  	[sflag:s12] =	ssyncadd.s32 $0xFFFFEC00  }
0x65: {  	[tilespmem:s13], [sflag:$0x3] =	stream.linear.gather [hbm4b:s23+s26], $0x1400, $0x38;
	[tilespmem:$0x1E800] =	vst v63  }
0x66: {  	_ =	swait.ge [sflag:s12], $0x1400  }
0x67: {  	[sflag:s12] =	ssyncset.done $0x0  }
0x68: {  	[sflag:s12] =	ssyncadd.s32 $0xFFFFEC00  }
0x69: {  	[tilespmem:s15], [sflag:$0x1] =	stream.indirect.gather [hbm4b:s4+s14], $0x80, s26, s14, $0xb8;
	[tilespmem:$0x1E800] =	vst v63  }
0x6a: {  	s28 =	simm.s32 $0x80  }
0x6b: {  	[tilespmem:s16], [sflag:$0x2] =	stream.indirect.gather [hbm4b:s4+s14], $0x80, s28, s14, $0xb8;
	[tilespmem:$0x1E800] =	vst v63  }
0x6c: {  	_ =	swait.ge [sflag:s17], $0x4000  }
0x6d: {  	[sflag:s17] =	ssyncset.done $0x0  }
0x6e: {  	s29 =	simm.s32 $0x1400;
	[sflag:s17] =	ssyncadd.s32 $0xFFFFC000  }
0x6f: {  	[spmem:s1] =	stream.indirect.scatter.add.f32 [tilespmem:s15], [sflag:$0x3], $0x80, s29, s14, $0xb8;
	[tilespmem:$0x1E800] =	vst v63  }
0x70: {  	_ =	swait.ge [sflag:s12], $0x4000  }
0x71: {  	[sflag:s12] =	ssyncset.done $0x0  }
0x72: {  	s30 =	simm.s32 $0x100;
	[sflag:s12] =	ssyncadd.s32 $0xFFFFC000  }
0x73: {  	[tilespmem:s15], [sflag:$0x1] =	stream.indirect.gather [hbm4b:s4+s14], $0x80, s30, s14, $0xb8;
	[tilespmem:$0x1E800] =	vst v63  }
0x74: {  	_ =	swait.ge [sflag:s18], $0x4000  }
0x75: {  	[sflag:s18] =	ssyncset.done $0x0  }
0x76: {  	s31 =	simm.s32 $0x1480;
	[sflag:s18] =	ssyncadd.s32 $0xFFFFC000  }
0x77: {  	[spmem:s1] =	stream.indirect.scatter.add.f32 [tilespmem:s16], [sflag:$0x3], $0x80, s31, s14, $0xb8;
	[tilespmem:$0x1E800] =	vst v63  }
0x78: {  	_ =	swait.ge [sflag:s12], $0x4000  }
0x79: {  	s25 =	simm.s32 $0x100;
	s26 =	simm.s32 $0x800;
	[sflag:s12] =	ssyncset.done $0x0  }
.LBB2_4:
0x7a: {  	s28 =	sadd.s32 $0x80, s25  }
0x7b: {  	[sflag:s12] =	ssyncadd.s32 $0xFFFFC000;
	s29 =	smov.u32 s26;
	s30 =	sadd.s32 $0x400, s26  }
0x7c: {  	[tilespmem:s16], [sflag:$0x2] =	stream.indirect.gather [hbm4b:s4+s14], $0x80, s28, s14, $0xb8;
	[tilespmem:$0x1E800] =	vst v63  }
0x7d: {  	p0 =	sne.s32 s26, $0x4800;
	_ =	swait.ge [sflag:s17], $0x4000  }
0x7e: {  	[sflag:s17] =	ssyncset.done $0x0  }
0x7f: {  	s26 =	sadd.s32 $0x1400, s25;
	[sflag:s17] =	ssyncadd.s32 $0xFFFFC000  }
0x80: {  	[spmem:s1] =	stream.indirect.scatter.add.f32 [tilespmem:s15], [sflag:$0x3], $0x80, s26, s14, $0xb8;
	[tilespmem:$0x1E800] =	vst v63  }
0x81: {  	_ =	swait.ge [sflag:s12], $0x4000  }
0x82: {  	[sflag:s12] =	ssyncset.done $0x0  }
0x83: {  	s26 =	sadd.s32 $0x100, s25;
	[sflag:s12] =	ssyncadd.s32 $0xFFFFC000  }
0x84: {  	[tilespmem:s15], [sflag:$0x1] =	stream.indirect.gather [hbm4b:s4+s14], $0x80, s26, s14, $0xb8;
	[tilespmem:$0x1E800] =	vst v63  }
0x85: {  	_ =	swait.ge [sflag:s18], $0x4000  }
.Ltmp1:
0x86: {  	[sflag:s18] =	ssyncset.done $0x0;
	(pc) =	sbr.rel @p0 .LBB2_4-.Ltmp1, $4  }
0x87: {  	s25 =	sadd.s32 $0x1480, s25;
	[sflag:s18] =	ssyncadd.s32 $0xFFFFC000  }
0x88: {  	[spmem:s1] =	stream.indirect.scatter.add.f32 [tilespmem:s16], [sflag:$0x3], $0x80, s25, s14, $0xb8;
	[tilespmem:$0x1E800] =	vst v63  }
0x89: {  	_ =	swait.ge [sflag:s12], $0x4000  }
0x8a: {  	s26 =	smov.u32 s30;
	s25 =	sshra.s32 s29, $0x2;
	[sflag:s12] =	ssyncset.done $0x0  }
0x8b: {  	s26 =	sadd.s32 $0x80, s25;
	[sflag:s12] =	ssyncadd.s32 $0xFFFFC000  }
0x8c: {  	[tilespmem:s16], [sflag:$0x2] =	stream.indirect.gather [hbm4b:s4+s14], $0x80, s26, s14, $0xb8;
	[tilespmem:$0x1E800] =	vst v63  }
0x8d: {  	_ =	swait.ge [sflag:s17], $0x4000  }
0x8e: {  	[sflag:s17] =	ssyncset.done $0x0  }
0x8f: {  	s29 =	sadd.s32 $0x1400, s25;
	[sflag:s17] =	ssyncadd.s32 $0xFFFFC000  }
0x90: {  	[spmem:s1] =	stream.indirect.scatter.add.f32 [tilespmem:s15], [sflag:$0x3], $0x80, s29, s14, $0xb8;
	[tilespmem:$0x1E800] =	vst v63  }
0x91: {  	_ =	swait.ge [sflag:s12], $0x4000  }
0x92: {  	[sflag:s12] =	ssyncset.done $0x0  }
0x93: {  	s30 =	sadd.s32 $0x100, s25;
	[sflag:s12] =	ssyncadd.s32 $0xFFFFC000  }
0x94: {  	[tilespmem:s15], [sflag:$0x1] =	stream.indirect.gather [hbm4b:s4+s14], $0x80, s30, s14, $0xb8;
	[tilespmem:$0x1E800] =	vst v63  }
0x95: {  	_ =	swait.ge [sflag:s18], $0x4000  }
0x96: {  	[sflag:s18] =	ssyncset.done $0x0  }
0x97: {  	s31 =	sadd.s32 $0x1480, s25;
	[sflag:s18] =	ssyncadd.s32 $0xFFFFC000  }
0x98: {  	[spmem:s1] =	stream.indirect.scatter.add.f32 [tilespmem:s16], [sflag:$0x3], $0x80, s31, s14, $0xb8;
	[tilespmem:$0x1E800] =	vst v63  }
0x99: {  	_ =	swait.ge [sflag:s12], $0x4000  }
0x9a: {  	[sflag:s12] =	ssyncset.done $0x0  }
0x9b: {  	[sflag:s12] =	ssyncadd.s32 $0xFFFFC000  }
0x9c: {  	[tilespmem:s16], [sflag:$0x2] =	stream.indirect.gather [hbm4b:s4+s14], $0x80, s19, s14, $0xb8;
	[tilespmem:$0x1E800] =	vst v63  }
0x9d: {  	_ =	swait.ge [sflag:s17], $0x4000  }
0x9e: {  	[sflag:s17] =	ssyncset.done $0x0  }
0x9f: {  	[sflag:s17] =	ssyncadd.s32 $0xFFFFC000  }
0xa0: {  	[spmem:s1] =	stream.indirect.scatter.add.f32 [tilespmem:s15], [sflag:$0x3], $0x80, s20, s14, $0xb8;
	[tilespmem:$0x1E800] =	vst v63  }
0xa1: {  	_ =	swait.ge [sflag:s12], $0x4000  }
0xa2: {  	[sflag:s12] =	ssyncset.done $0x0  }
0xa3: {  	[sflag:s12] =	ssyncadd.s32 $0xFFFFC000  }
0xa4: {  	_ =	swait.ge [sflag:s18], $0x4000  }
0xa5: {  	[sflag:s18] =	ssyncset.done $0x0  }
0xa6: {  	[sflag:s18] =	ssyncadd.s32 $0xFFFFC000  }
0xa7: {  	[spmem:s1] =	stream.indirect.scatter.add.f32 [tilespmem:s16], [sflag:$0x3], $0x80, s21, s14, $0xb8;
	[tilespmem:$0x1E800] =	vst v63  }
0xa8: {  	_ =	swait.ge [sflag:s12], $0x4000  }
0xa9: {  	s24 =	sadd.s32 $0x1, s24;
	[sflag:s12] =	ssyncset.done $0x0  }
0xaa: {  	p0 =	sne.s32 s24, s10;
	[sflag:s12] =	ssyncadd.s32 $0xFFFFC000  }
.Ltmp2:
0xab: {  	[bflag:$0x0] =	sbarrier.arrive $0xFFFF;
	(pc) =	sbr.rel @p0 .LBB2_1-.Ltmp2, $4  }
0xac: {  	[hbm:s9], [sflag:s6] =	dma.local [spmem:s11], $0x2800  }
0xad: {  	_ =	swait.ge [sflag:s12], $0x2800  }
0xae: {  	[sflag:s12] =	ssyncset.done $0x0  }
0xaf: {  	[sflag:s12] =	ssyncadd.s32 $0xFFFFD800  }
0xb0: {  	_ =	sfence.sel $0x180000  }
0xb1: {  	[bflag:$0x0] =	sbarrier.arrive $0xFFFF  }
0xb2: {  	p0 =	sne.s32 s2, $0x0;
	_ =	strace $0x9000004A  }
0xb3: {  	s0 =	sadd.s32 @!p0 $0x100000, s0;
	[bflag:$0x2] =	sbarrier.arrive $0xFFFF  }
0xb4: {  	[sflag:s0] =	ssyncadd.tile.s32 @!p0 $0x1;
	_ =	shalt  }
.Lfunc_end2:
_tile_overlayer_lowered:
.L_overlay_start_2:
0xb5: {  	(tag) =	ssettag $0x2  }
0xb6: {  	s0 =	rddreg [dreg:$0x0];
	s2 =	stileid.u32  }
0xb7: {  	s1 =	rddreg [dreg:$0x1];
	p0 =	sne.s32 s2, $0x0  }
0xb8: {  	s3 =	rddreg [dreg:$0x2];
	[bflag:$0x3] =	sbarrier.arrive $0xFFFF;
	s2 =	simm.s32 @!p0 $0x1C03  }
0xb9: {  	[timem:s3], [sflag:s2] =	dma.local @!p0 [hbm:s0], s1  }
0xba: {  	s0 =	simm.s32 @!p0 $0x3  }
0xbb: {  	_ =	swait.ge @!p0 [sflag:s0], s1  }
0xbc: {  	s1 =	ssub.s32 @!p0 $0x0, s1;
	[sflag:s0] =	ssyncset.done @!p0 $0x0  }
0xbd: {  	[sflag:s0] =	ssyncadd.s32 @!p0 s1  }
0xbe: {  	[bflag:$0x3] =	sbarrier.arrive $0xFFFF  }
0xbf: {  	_ =	shalt  }

// kernel: kernel.14.cloned.1.call-start
scs
__scs_entry_jumppad:
0x0: {  	(pc) =	sbr.rel $0x88, $3  }
0x1: {  	(tag) =	ssettag $0x0;
	lr =	simm.s32 $0x1  }
0x2: {  	[smem:$0x3F9A] =	sst lr;
	_ =	strace $0xD0000000  }
0x3: {  	_ = 	snop  }
0x4: {  	_ = 	snop  }
0x5: {  	_ = 	snop  }
0x6: {  	_ = 	snop  }
0x7: {  	_ = 	snop  }
__scs_overlays_trampoline_lowered:
0x8: {  	[smem:$0x3FA9] =	sst s0  }
0x9: {  	[smem:$0x3FAA] =	sst s1  }
0xa: {  	[smem:$0x3FAB] =	sst s2  }
0xb: {  	[smem:$0x3FAC] =	sst s3  }
0xc: {  	[smem:$0x3FAD] =	sst s4  }
0xd: {  	[smem:$0x3FAE] =	sst s5  }
0xe: {  	[smem:$0x3FAF] =	sst s6  }
0xf: {  	[smem:$0x3FB0] =	sst s7  }
0x10: {  	[smem:$0x3FB1] =	sst s8  }
0x11: {  	[smem:$0x3FB2] =	sst s9;
	s0 =	simm.s32 @!p0 $0x0  }
0x12: {  	s1 =	sld [smem:$0x3F98];
	s0 =	simm.s32 @p0 $0x1  }
0x13: {  	[smem:$0x3FB3] =	sst s0;
	s0 =	simm.s32 @!p1 $0x0  }
0x14: {  	s2 =	sld [smem:$0x3F97];
	s0 =	simm.s32 @p1 $0x1  }
0x15: {  	[smem:$0x3FB4] =	sst s0;
	s0 =	simm.s32 @!p2 $0x0  }
0x16: {  	s3 =	sld [smem:$0x3FDB];
	s0 =	simm.s32 @p2 $0x1  }
0x17: {  	s4 =	simm.s32 $0x1BF5;
	[smem:$0x3FB6] =	sst s0  }
0x18: {  	s0 =	sld [smem:$0x3F99];
	_ =	swait.ge [sflag:s4], $0x0  }
0x19: {  	s7 =	sld [smem:$0x3F9A]  }
0x1a: {  	s8 =	sadd.s32 $0xFFFFE003, lr  }
0x1b: {  	s9 =	sadd.s32 $0xFFFFFEF7, lr;
	s5 =	simm.s32 $0xFFFFFFFF;
	p2 =	slt.u32 s8, $0xFFFFF086  }
0x1c: {  	p1 =	slt.u32 s9, $0xF7A;
	s5 =	simm.s32 @!p2 $0x0  }
0x1d: {  	s5 =	simm.s32 @p1 $0x1;
	p0 =	seq.s32 s7, s2  }
0x1e: {  	s7 =	smul.u32 @!p0 $0xF7A, s2;
	p2 =	seq.s32 @!p0 s5, $0x0  }
0x1f: {  	s9 =	smul.u32 $0xF7A, s1;
	s8 =	simm.s32 @!p0 $0x1BF5;
	p2 =	por !p2, p0  }
0x20: {  	[sflag:s8] =	ssyncset.s32 @!p0 $0xFFFFF086;
	s6 =	sadd.s32 @!p0 s3, s7;
	s7 =	simm.s32 @!p0 $0x108  }
0x21: {  	s3 =	sadd.s32 s3, s9;
	s6 =	sadd.s32 @!p0 $0x88, s6;
	s7 =	simm.s32 @p2 $0x1082  }
0x22: {  	[simem:s7], [sflag:s8] =	dma.local @!p0 [hbm:s6], $0xF7A  }
0x23: {  	s9 =	sor.u32 $0xD0000000, s2;
	s6 =	simm.s32 $0x108;
	_ =	swait.ge @!p0 [sflag:s8], $0x0  }
0x24: {  	s3 =	sadd.s32 $0x88, s3;
	s6 =	simm.s32 @!p1 $0x1082;
	[sflag:s4] =	ssyncset.s32 $0xFFFFF086  }
0x25: {  	[simem:s6], [sflag:s4] =	dma.local [hbm:s3], $0xF7A  }
0x26: {  	[smem:$0x3F9A] =	sst s1;
	(tag) =	ssettag s2;
	_ =	strace s9  }
0x27: {  	s1 =	sld [smem:$0x3FAA]  }
0x28: {  	s2 =	sld [smem:$0x3FAB]  }
0x29: {  	s4 =	sld [smem:$0x3FAD]  }
0x2a: {  	p0 =	seq.s32 s5, $0x0;
	s5 =	sld [smem:$0x3FAE]  }
0x2b: {  	s6 =	sld [smem:$0x3FAF]  }
0x2c: {  	s7 =	sld [smem:$0x3FB0]  }
0x2d: {  	s3 =	simm.s32 $0x108;
	s8 =	sld [smem:$0x3FB1]  }
0x2e: {  	s3 =	simm.s32 @!p0 $0x1082;
	s9 =	sld [smem:$0x3FB2]  }
0x2f: {  	lr =	sadd.s32 s0, s3;
	s0 =	sld [smem:$0x3FA9]  }
0x30: {  	s3 =	sld [smem:$0x3FAC]  }
0x31: {  	[smem:$0x3FB5] =	sst s10  }
0x32: {  	s10 =	sld [smem:$0x3FB3];
	_ =	sdelay $0x3  }
0x33: {  	p0 =	seq.s32 s10, $0x1;
	s10 =	sld [smem:$0x3FB5];
	_ =	sdelay $0x3  }
0x34: {  	[smem:$0x3FB5] =	sst s10  }
0x35: {  	s10 =	sld [smem:$0x3FB4];
	_ =	sdelay $0x3  }
0x36: {  	p1 =	seq.s32 s10, $0x1;
	s10 =	sld [smem:$0x3FB5];
	_ =	sdelay $0x3  }
0x37: {  	[smem:$0x3FB5] =	sst s10  }
0x38: {  	s10 =	sld [smem:$0x3FB6]  }
0x39: {  	_ = 	snop;
	(pc) =	sbr.ind lr, $3  }
0x3a: {  	_ = 	snop  }
0x3b: {  	_ = 	snop  }
0x3c: {  	p2 =	seq.s32 s10, $0x1;
	s10 =	sld [smem:$0x3FB5]  }
0x3d: {  	_ =	shalt  }
0x3e: {  	_ =	shalt  }
0x3f: {  	_ =	shalt  }
0x40: {  	_ =	shalt  }
0x41: {  	_ =	shalt  }
0x42: {  	_ =	shalt  }
0x43: {  	_ =	shalt  }
0x44: {  	_ =	shalt  }
0x45: {  	_ =	shalt  }
0x46: {  	_ =	shalt  }
0x47: {  	_ =	shalt  }
0x48: {  	_ =	shalt  }
0x49: {  	_ =	shalt  }
0x4a: {  	_ =	shalt  }
0x4b: {  	_ =	shalt  }
0x4c: {  	_ =	shalt  }
0x4d: {  	_ =	shalt  }
0x4e: {  	_ =	shalt  }
0x4f: {  	_ =	shalt  }
0x50: {  	_ =	shalt  }
0x51: {  	_ =	shalt  }
0x52: {  	_ =	shalt  }
0x53: {  	_ =	shalt  }
0x54: {  	_ =	shalt  }
0x55: {  	_ =	shalt  }
0x56: {  	_ =	shalt  }
0x57: {  	_ =	shalt  }
0x58: {  	_ =	shalt  }
0x59: {  	_ =	shalt  }
0x5a: {  	_ =	shalt  }
0x5b: {  	_ =	shalt  }
0x5c: {  	_ =	shalt  }
0x5d: {  	_ =	shalt  }
0x5e: {  	_ =	shalt  }
0x5f: {  	_ =	shalt  }
0x60: {  	_ =	shalt  }
0x61: {  	_ =	shalt  }
0x62: {  	_ =	shalt  }
0x63: {  	_ =	shalt  }
0x64: {  	_ =	shalt  }
0x65: {  	_ =	shalt  }
0x66: {  	_ =	shalt  }
0x67: {  	_ =	shalt  }
0x68: {  	_ =	shalt  }
0x69: {  	_ =	shalt  }
0x6a: {  	_ =	shalt  }
0x6b: {  	_ =	shalt  }
0x6c: {  	_ =	shalt  }
0x6d: {  	_ =	shalt  }
0x6e: {  	_ =	shalt  }
0x6f: {  	_ =	shalt  }
0x70: {  	_ =	shalt  }
0x71: {  	_ =	shalt  }
0x72: {  	_ =	shalt  }
0x73: {  	_ =	shalt  }
0x74: {  	_ =	shalt  }
0x75: {  	_ =	shalt  }
0x76: {  	_ =	shalt  }
0x77: {  	_ =	shalt  }
0x78: {  	_ =	shalt  }
0x79: {  	_ =	shalt  }
0x7a: {  	_ =	shalt  }
0x7b: {  	_ =	shalt  }
0x7c: {  	_ =	shalt  }
0x7d: {  	_ =	shalt  }
0x7e: {  	_ =	shalt  }
0x7f: {  	_ =	shalt  }
0x80: {  	_ =	shalt  }
0x81: {  	_ =	shalt  }
0x82: {  	_ =	shalt  }
0x83: {  	_ =	shalt  }
0x84: {  	_ =	shalt  }
0x85: {  	_ =	shalt  }
0x86: {  	_ =	shalt  }
0x87: {  	_ =	shalt  }
.Lfunc_end0:
.L_simem_size_0:
called_computation.2_lowered:
.L_overlay_start_0:
0x88: {  	s2 =	sld [smem:$0x3FD9]  }
0x89: {  	s3 =	sld [smem:$0x3FFE];
	_ =	sdelay $0x1  }
0x8a: {  	s1 =	srdreg.scid  }
0x8b: {  	s0 =	sand.u32 $0x1, s1  }
0x8c: {  	s16 =	sshll.u32 s0, $0xA;
	s2 =	sadd.s32 s3, s2  }
0x8d: {  	s2 =	sadd.s32 s2, s16  }
0x8e: {  	[smem:$0x3FC1] =	sst s2  }
0x8f: {  	_ = 	snop  }
0x90: {  	(tm) =	ssettm $0x1  }
0x91: {  	s17 =	sld [smem:$0x3FFB];
	_ =	sdelay $0x3  }
0x92: {  	_ =	strace s17  }
0x93: {  	s2 =	sld [smem:$0x3FFC];
	_ =	sdelay $0x3  }
0x94: {  	_ =	strace s2  }
0x95: {  	s2 =	sld [smem:$0x3FFD];
	_ =	sdelay $0x3  }
0x96: {  	_ =	strace s2  }
0x97: {  	_ =	strace $0x8FFFFFFF  }
0x98: {  	s18 =	sld [smem:$0x3FDB];
	_ =	sdelay $0x1  }
0x99: {  	s19 =	simm.s32 $_scs_section_size  }
0x9a: {  	s4 =	simm.s32 $_size__tile_overlayer_lowered;
	s5 =	simm.s32 $_tile_overlayer_lowered  }
0x9b: {  	s22 =	simm.s32 $0x1BFF;
	s21 =	sshll.u32 s5, $0x1;
	s2 =	sadd.s32 s19, s18  }
0x9c: {  	s6 =	simm.s32 $0x0;
	s20 =	sshll.u32 s4, $0x1;
	s4 =	sadd.s32 s21, s2  }
0x9d: {  	[timem:s6], [sflag:s22] =	dma.local [hbm:s4], s20  }
0x9e: {  	_ =	swait.ge [sflag:s22], s20  }
0x9f: {  	s3 =	ssub.s32 $0x0, s20;
	[sflag:s22] =	ssyncset.done $0x0  }
0xa0: {  	[sflag:s22] =	ssyncadd.s32 s3;
	_ =	sdelay $0x1  }
0xa1: {  	s23 =	simm.s32 $0x1B8B  }
0xa2: {  	_ =	swait.ge [sflag:s23], $0x1  }
0xa3: {  	[sflag:s23] =	ssyncset.done $0x0  }
0xa4: {  	s25 =	simm.s32 $0x1B8E;
	s24 =	sld [smem:$0x3FFE];
	[sflag:s23] =	ssyncadd.s32 $0xFFFFFFFF  }
0xa5: {  	s26 =	simm.s32 $execute0_lowered;
	[smem:$0x3FD2] =	sst s25  }
0xa6: {  	s4 =	sshll.u32 s26, $0x1;
	_ =	strace $0x8000004C;
	[dreg:$0x1] =	wrdreg $0xFFFFFFFF  }
0xa7: {  	s28 =	simm.s32 $_size_execute0_lowered;
	s2 =	sadd.s32 s2, s4;
	[dreg:$0x0] =	wrdreg $0x0  }
0xa8: {  	s4 =	sshll.u32 s28, $0x1;
	[dreg:$0x2] =	wrdreg s2  }
0xa9: {  	[dreg:$0x3] =	wrdreg s4  }
0xaa: {  	[dreg:$0x4] =	wrdreg $0xC0  }
0xab: {  	_ =	task [dreg:s6], $0x5FFFF  }
0xac: {  	[dreg:$0x1] =	wrdreg $0xFFFFFFFF  }
0xad: {  	[dreg:$0x0] =	wrdreg $0x60  }
0xae: {  	[dreg:$0x2] =	wrdreg s24  }
0xaf: {  	[dreg:$0x3] =	wrdreg $0xA8000  }
0xb0: {  	[dreg:$0x4] =	wrdreg $0x9  }
0xb1: {  	_ =	task.clear_ibuf [dreg:s6], $0x5FFFF;
	_ =	strace $0x9000004C  }
0xb2: {  	s29 =	simm.s32 $0x9;
	_ =	strace $0x8000004E  }
0xb3: {  	_ =	swait.ge [sflag:s29], $0x1  }
0xb4: {  	[sflag:s29] =	ssyncadd.s32 $0xFFFFFFFF  }
0xb5: {  	_ =	strace $0x9000004E  }
0xb6: {  	_ =	sfence  }
0xb7: {  	s30 =	sld [smem:$0x0];
	_ =	sdelay $0x2  }
0xb8: {  	s31 =	sshll.u32 s1, $0xD;
	s1 =	sshrl.u32 s1, $0x2  }
0xb9: {  	s3 =	sand.u32 $0x4000, s31;
	s1 =	sadd.s32 s1, s30  }
0xba: {  	s0 =	sor.u32 s3, s0;
	s1 =	sshll.u32 s1, $0x11  }
0xbb: {  	s0 =	sor.u32 s1, s0  }
0xbc: {  	s0 =	sadd.s32 $0x8F2B, s0  }
0xbd: {  	[sflag:s0] =	ssyncadd.remote.s32 $0x1  }
0xbe: {  	_ =	sfence.sel $0xFFFF  }
0xbf: {  	[dreg:$0x0] =	wrdreg $0xFFFFFFFF;
	(pc) =	sbr.abs _section_cstart, $3  }
0xc0: {  	[dreg:$0x1] =	wrdreg $0xFFFFFFFF  }
0xc1: {  	_ =	task.clear_ibuf [dreg:s6], $0x2FFFF;
	_ =	strace $0x9FFFFFFF  }
0xc2: {  	(tm) =	ssettm $0x7FFFFFFF  }
0xc3: {  	_ =	shalt  }
tec
execute0_lowered:
.L_overlay_start_1:
0x0: {  	(tag) =	ssettag $0x1  }
0x1: {  	s5 =	rddreg [dreg:$0x0]  }
0x2: {  	s1 =	rddreg [dreg:$0x1]  }
0x3: {  	s2 =	srdreg.scid;
	s0 =	rddreg [dreg:$0x2]  }
0x4: {  	s3 =	simm.s32 $0x0;
	s13 =	simm.s32 $0x1400;
	s14 =	simm.s32 $0x80  }
0x5: {  	s15 =	simm.s32 $0x2800;
	s16 =	simm.s32 $0x6800;
	s17 =	simm.s32 $0x1  }
0x6: {  	s18 =	simm.s32 $0x2;
	s19 =	simm.s32 $0x1380;
	s20 =	simm.s32 $0x2700  }
0x7: {  	s21 =	simm.s32 $0x2780;
	s6 =	sand.u32 $0x1, s2;
	s2 =	stileid.u32  }
0x8: {  	s24 =	simm.s32 $0x0;
	[smem:$0x7FF] =	sst s3;
	s7 =	smul.u32 $0x2800, s6  }
0x9: {  	s4 =	sshll.u32 s2, $0x1;
	s8 =	smul.u32 $0x280, s2;
	_ =	strace $0x8000004D  }
0xa: {  	s28 =	smul.u32 $0x50000, s2;
	s31 =	sshll.u32 s2, $0x6;
	s9 =	sor.u32 s6, s4  }
0xb: {  	s4 =	sadd.s32 $0x66E00, s5;
	s6 =	ssub.s32 $0x2, s6;
	s9 =	smul.u32 $0x500, s9  }
0xc: {  	s7 =	sadd.s32 s8, s7;
	s29 =	sshrl.u32 s6, $0x1;
	s30 =	sshrl.u32 s28, $0x2  }
0xd: {  	s7 =	sshll.u32 s7, $0x4;
	s11 =	ssub.s32 s6, s29;
	s12 =	sadd.s32 s30, s1  }
0xe: {  	s6 =	sor.u32 $0x1C03, s31;
	s9 =	sadd.s32 s9, s5;
	s10 =	sadd.s32 s7, s5  }
0xf: {  	s5 =	sadd.s32 $0x16E00, s10;
	s7 =	sadd.s32 $0xCE00, s9;
	s8 =	sadd.s32 $0x2E00, s9  }
0x10: {  	s9 =	sadd.s32 $0x8E000, s10;
	s10 =	smax.u32 s11, $0x1;
	s11 =	sshrl.u32 s12, $0x3  }
0x11: {  	s12 =	simm.s32 $0x3;
	s22 =	sadd.s32 $0x280, s7;
	s23 =	sadd.s32 $0x280, s8  }
.LBB2_1:
0x12: {  	[spmem:s11], [sflag:s6] =	dma.local [hbm:s5], $0x2800  }
0x13: {  	_ =	swait.ge [sflag:s12], $0x2800  }
0x14: {  	[sflag:s12] =	ssyncset.done $0x0  }
0x15: {  	[sflag:s12] =	ssyncadd.s32 $0xFFFFD800  }
0x16: {  	[bflag:$0x0] =	sbarrier.arrive $0xFFFF  }
0x17: {  	[tilespmem:s3], [sflag:$0x3] =	stream.linear.gather [hbm4b:s7+s3], $0x1400, $0x38;
	[tilespmem:$0x1E800] =	vst v63  }
0x18: {  	_ =	swait.ge [sflag:s12], $0x1400  }
0x19: {  	[sflag:s12] =	ssyncset.done $0x0  }
0x1a: {  	[sflag:s12] =	ssyncadd.s32 $0xFFFFEC00  }
0x1b: {  	[tilespmem:s13], [sflag:$0x3] =	stream.linear.gather [hbm4b:s8+s3], $0x1400, $0x38;
	[tilespmem:$0x1E800] =	vst v63  }
0x1c: {  	_ =	swait.ge [sflag:s12], $0x1400  }
0x1d: {  	[sflag:s12] =	ssyncset.done $0x0  }
0x1e: {  	[sflag:s12] =	ssyncadd.s32 $0xFFFFEC00  }
0x1f: {  	[tilespmem:s15], [sflag:$0x1] =	stream.indirect.gather [hbm4b:s4+s14], $0x80, s3, s14, $0xb8;
	[tilespmem:$0x1E800] =	vst v63  }
0x20: {  	s25 =	simm.s32 $0x80  }
0x21: {  	[tilespmem:s16], [sflag:$0x2] =	stream.indirect.gather [hbm4b:s4+s14], $0x80, s25, s14, $0xb8;
	[tilespmem:$0x1E800] =	vst v63  }
0x22: {  	_ =	swait.ge [sflag:s17], $0x4000  }
0x23: {  	[sflag:s17] =	ssyncset.done $0x0  }
0x24: {  	s29 =	simm.s32 $0x1400;
	[sflag:s17] =	ssyncadd.s32 $0xFFFFC000  }
0x25: {  	[spmem:s1] =	stream.indirect.scatter.add.f32 [tilespmem:s15], [sflag:$0x3], $0x80, s29, s14, $0xb8;
	[tilespmem:$0x1E800] =	vst v63  }
0x26: {  	_ =	swait.ge [sflag:s12], $0x4000  }
0x27: {  	[sflag:s12] =	ssyncset.done $0x0  }
0x28: {  	s30 =	simm.s32 $0x100;
	[sflag:s12] =	ssyncadd.s32 $0xFFFFC000  }
0x29: {  	[tilespmem:s15], [sflag:$0x1] =	stream.indirect.gather [hbm4b:s4+s14], $0x80, s30, s14, $0xb8;
	[tilespmem:$0x1E800] =	vst v63  }
0x2a: {  	_ =	swait.ge [sflag:s18], $0x4000  }
0x2b: {  	[sflag:s18] =	ssyncset.done $0x0  }
0x2c: {  	s31 =	simm.s32 $0x1480;
	[sflag:s18] =	ssyncadd.s32 $0xFFFFC000  }
0x2d: {  	[spmem:s1] =	stream.indirect.scatter.add.f32 [tilespmem:s16], [sflag:$0x3], $0x80, s31, s14, $0xb8;
	[tilespmem:$0x1E800] =	vst v63  }
0x2e: {  	_ =	swait.ge [sflag:s12], $0x4000  }
0x2f: {  	s26 =	simm.s32 $0x800;
	s25 =	simm.s32 $0x100;
	[sflag:s12] =	ssyncset.done $0x0  }
.LBB2_2:
0x30: {  	s28 =	sadd.s32 $0x80, s25  }
0x31: {  	[sflag:s12] =	ssyncadd.s32 $0xFFFFC000;
	s29 =	smov.u32 s26;
	s30 =	sadd.s32 $0x400, s26  }
0x32: {  	[tilespmem:s16], [sflag:$0x2] =	stream.indirect.gather [hbm4b:s4+s14], $0x80, s28, s14, $0xb8;
	[tilespmem:$0x1E800] =	vst v63  }
0x33: {  	p0 =	sne.s32 s26, $0x4800;
	_ =	swait.ge [sflag:s17], $0x4000  }
0x34: {  	[sflag:s17] =	ssyncset.done $0x0  }
0x35: {  	s26 =	sadd.s32 $0x1400, s25;
	[sflag:s17] =	ssyncadd.s32 $0xFFFFC000  }
0x36: {  	[spmem:s1] =	stream.indirect.scatter.add.f32 [tilespmem:s15], [sflag:$0x3], $0x80, s26, s14, $0xb8;
	[tilespmem:$0x1E800] =	vst v63  }
0x37: {  	_ =	swait.ge [sflag:s12], $0x4000  }
0x38: {  	[sflag:s12] =	ssyncset.done $0x0  }
0x39: {  	s26 =	sadd.s32 $0x100, s25;
	[sflag:s12] =	ssyncadd.s32 $0xFFFFC000  }
0x3a: {  	[tilespmem:s15], [sflag:$0x1] =	stream.indirect.gather [hbm4b:s4+s14], $0x80, s26, s14, $0xb8;
	[tilespmem:$0x1E800] =	vst v63  }
0x3b: {  	_ =	swait.ge [sflag:s18], $0x4000  }
.Ltmp0:
0x3c: {  	[sflag:s18] =	ssyncset.done $0x0;
	(pc) =	sbr.rel @p0 .LBB2_2-.Ltmp0, $4  }
0x3d: {  	s25 =	sadd.s32 $0x1480, s25;
	[sflag:s18] =	ssyncadd.s32 $0xFFFFC000  }
0x3e: {  	[spmem:s1] =	stream.indirect.scatter.add.f32 [tilespmem:s16], [sflag:$0x3], $0x80, s25, s14, $0xb8;
	[tilespmem:$0x1E800] =	vst v63  }
0x3f: {  	_ =	swait.ge [sflag:s12], $0x4000  }
0x40: {  	s26 =	smov.u32 s30;
	s25 =	sshra.s32 s29, $0x2;
	[sflag:s12] =	ssyncset.done $0x0  }
0x41: {  	s26 =	sadd.s32 $0x80, s25;
	[sflag:s12] =	ssyncadd.s32 $0xFFFFC000  }
0x42: {  	[tilespmem:s16], [sflag:$0x2] =	stream.indirect.gather [hbm4b:s4+s14], $0x80, s26, s14, $0xb8;
	[tilespmem:$0x1E800] =	vst v63  }
0x43: {  	_ =	swait.ge [sflag:s17], $0x4000  }
0x44: {  	[sflag:s17] =	ssyncset.done $0x0  }
0x45: {  	s29 =	sadd.s32 $0x1400, s25;
	[sflag:s17] =	ssyncadd.s32 $0xFFFFC000  }
0x46: {  	[spmem:s1] =	stream.indirect.scatter.add.f32 [tilespmem:s15], [sflag:$0x3], $0x80, s29, s14, $0xb8;
	[tilespmem:$0x1E800] =	vst v63  }
0x47: {  	_ =	swait.ge [sflag:s12], $0x4000  }
0x48: {  	[sflag:s12] =	ssyncset.done $0x0  }
0x49: {  	s30 =	sadd.s32 $0x100, s25;
	[sflag:s12] =	ssyncadd.s32 $0xFFFFC000  }
0x4a: {  	[tilespmem:s15], [sflag:$0x1] =	stream.indirect.gather [hbm4b:s4+s14], $0x80, s30, s14, $0xb8;
	[tilespmem:$0x1E800] =	vst v63  }
0x4b: {  	_ =	swait.ge [sflag:s18], $0x4000  }
0x4c: {  	[sflag:s18] =	ssyncset.done $0x0  }
0x4d: {  	s31 =	sadd.s32 $0x1480, s25;
	[sflag:s18] =	ssyncadd.s32 $0xFFFFC000  }
0x4e: {  	[spmem:s1] =	stream.indirect.scatter.add.f32 [tilespmem:s16], [sflag:$0x3], $0x80, s31, s14, $0xb8;
	[tilespmem:$0x1E800] =	vst v63  }
0x4f: {  	_ =	swait.ge [sflag:s12], $0x4000  }
0x50: {  	[sflag:s12] =	ssyncset.done $0x0  }
0x51: {  	[sflag:s12] =	ssyncadd.s32 $0xFFFFC000  }
0x52: {  	[tilespmem:s16], [sflag:$0x2] =	stream.indirect.gather [hbm4b:s4+s14], $0x80, s19, s14, $0xb8;
	[tilespmem:$0x1E800] =	vst v63  }
0x53: {  	_ =	swait.ge [sflag:s17], $0x4000  }
0x54: {  	[sflag:s17] =	ssyncset.done $0x0  }
0x55: {  	[sflag:s17] =	ssyncadd.s32 $0xFFFFC000  }
0x56: {  	[spmem:s1] =	stream.indirect.scatter.add.f32 [tilespmem:s15], [sflag:$0x3], $0x80, s20, s14, $0xb8;
	[tilespmem:$0x1E800] =	vst v63  }
0x57: {  	_ =	swait.ge [sflag:s12], $0x4000  }
0x58: {  	[sflag:s12] =	ssyncset.done $0x0  }
0x59: {  	[sflag:s12] =	ssyncadd.s32 $0xFFFFC000  }
0x5a: {  	_ =	swait.ge [sflag:s18], $0x4000  }
0x5b: {  	[sflag:s18] =	ssyncset.done $0x0  }
0x5c: {  	[sflag:s18] =	ssyncadd.s32 $0xFFFFC000  }
0x5d: {  	[spmem:s1] =	stream.indirect.scatter.add.f32 [tilespmem:s16], [sflag:$0x3], $0x80, s21, s14, $0xb8;
	[tilespmem:$0x1E800] =	vst v63  }
0x5e: {  	_ =	swait.ge [sflag:s12], $0x4000  }
0x5f: {  	[sflag:s12] =	ssyncset.done $0x0  }
0x60: {  	s26 =	simm.s32 $0x0;
	[sflag:s12] =	ssyncadd.s32 $0xFFFFC000  }
0x61: {  	[tilespmem:s26], [sflag:$0x3] =	stream.linear.gather [hbm4b:s22+s26], $0x1400, $0x38;
	[tilespmem:$0x1E800] =	vst v63  }
0x62: {  	_ =	swait.ge [sflag:s12], $0x1400  }
0x63: {  	[sflag:s12] =	ssyncset.done $0x0  }
0x64: {  	[sflag:s12] =	ssyncadd.s32 $0xFFFFEC00  }
0x65: {  	[tilespmem:s13], [sflag:$0x3] =	stream.linear.gather [hbm4b:s23+s26], $0x1400, $0x38;
	[tilespmem:$0x1E800] =	vst v63  }
0x66: {  	_ =	swait.ge [sflag:s12], $0x1400  }
0x67: {  	[sflag:s12] =	ssyncset.done $0x0  }
0x68: {  	[sflag:s12] =	ssyncadd.s32 $0xFFFFEC00  }
0x69: {  	[tilespmem:s15], [sflag:$0x1] =	stream.indirect.gather [hbm4b:s4+s14], $0x80, s26, s14, $0xb8;
	[tilespmem:$0x1E800] =	vst v63  }
0x6a: {  	s28 =	simm.s32 $0x80  }
0x6b: {  	[tilespmem:s16], [sflag:$0x2] =	stream.indirect.gather [hbm4b:s4+s14], $0x80, s28, s14, $0xb8;
	[tilespmem:$0x1E800] =	vst v63  }
0x6c: {  	_ =	swait.ge [sflag:s17], $0x4000  }
0x6d: {  	[sflag:s17] =	ssyncset.done $0x0  }
0x6e: {  	s29 =	simm.s32 $0x1400;
	[sflag:s17] =	ssyncadd.s32 $0xFFFFC000  }
0x6f: {  	[spmem:s1] =	stream.indirect.scatter.add.f32 [tilespmem:s15], [sflag:$0x3], $0x80, s29, s14, $0xb8;
	[tilespmem:$0x1E800] =	vst v63  }
0x70: {  	_ =	swait.ge [sflag:s12], $0x4000  }
0x71: {  	[sflag:s12] =	ssyncset.done $0x0  }
0x72: {  	s30 =	simm.s32 $0x100;
	[sflag:s12] =	ssyncadd.s32 $0xFFFFC000  }
0x73: {  	[tilespmem:s15], [sflag:$0x1] =	stream.indirect.gather [hbm4b:s4+s14], $0x80, s30, s14, $0xb8;
	[tilespmem:$0x1E800] =	vst v63  }
0x74: {  	_ =	swait.ge [sflag:s18], $0x4000  }
0x75: {  	[sflag:s18] =	ssyncset.done $0x0  }
0x76: {  	s31 =	simm.s32 $0x1480;
	[sflag:s18] =	ssyncadd.s32 $0xFFFFC000  }
0x77: {  	[spmem:s1] =	stream.indirect.scatter.add.f32 [tilespmem:s16], [sflag:$0x3], $0x80, s31, s14, $0xb8;
	[tilespmem:$0x1E800] =	vst v63  }
0x78: {  	_ =	swait.ge [sflag:s12], $0x4000  }
0x79: {  	s25 =	simm.s32 $0x100;
	s26 =	simm.s32 $0x800;
	[sflag:s12] =	ssyncset.done $0x0  }
.LBB2_4:
0x7a: {  	s28 =	sadd.s32 $0x80, s25  }
0x7b: {  	[sflag:s12] =	ssyncadd.s32 $0xFFFFC000;
	s29 =	smov.u32 s26;
	s30 =	sadd.s32 $0x400, s26  }
0x7c: {  	[tilespmem:s16], [sflag:$0x2] =	stream.indirect.gather [hbm4b:s4+s14], $0x80, s28, s14, $0xb8;
	[tilespmem:$0x1E800] =	vst v63  }
0x7d: {  	p0 =	sne.s32 s26, $0x4800;
	_ =	swait.ge [sflag:s17], $0x4000  }
0x7e: {  	[sflag:s17] =	ssyncset.done $0x0  }
0x7f: {  	s26 =	sadd.s32 $0x1400, s25;
	[sflag:s17] =	ssyncadd.s32 $0xFFFFC000  }
0x80: {  	[spmem:s1] =	stream.indirect.scatter.add.f32 [tilespmem:s15], [sflag:$0x3], $0x80, s26, s14, $0xb8;
	[tilespmem:$0x1E800] =	vst v63  }
0x81: {  	_ =	swait.ge [sflag:s12], $0x4000  }
0x82: {  	[sflag:s12] =	ssyncset.done $0x0  }
0x83: {  	s26 =	sadd.s32 $0x100, s25;
	[sflag:s12] =	ssyncadd.s32 $0xFFFFC000  }
0x84: {  	[tilespmem:s15], [sflag:$0x1] =	stream.indirect.gather [hbm4b:s4+s14], $0x80, s26, s14, $0xb8;
	[tilespmem:$0x1E800] =	vst v63  }
0x85: {  	_ =	swait.ge [sflag:s18], $0x4000  }
.Ltmp1:
0x86: {  	[sflag:s18] =	ssyncset.done $0x0;
	(pc) =	sbr.rel @p0 .LBB2_4-.Ltmp1, $4  }
0x87: {  	s25 =	sadd.s32 $0x1480, s25;
	[sflag:s18] =	ssyncadd.s32 $0xFFFFC000  }
0x88: {  	[spmem:s1] =	stream.indirect.scatter.add.f32 [tilespmem:s16], [sflag:$0x3], $0x80, s25, s14, $0xb8;
	[tilespmem:$0x1E800] =	vst v63  }
0x89: {  	_ =	swait.ge [sflag:s12], $0x4000  }
0x8a: {  	s26 =	smov.u32 s30;
	s25 =	sshra.s32 s29, $0x2;
	[sflag:s12] =	ssyncset.done $0x0  }
0x8b: {  	s26 =	sadd.s32 $0x80, s25;
	[sflag:s12] =	ssyncadd.s32 $0xFFFFC000  }
0x8c: {  	[tilespmem:s16], [sflag:$0x2] =	stream.indirect.gather [hbm4b:s4+s14], $0x80, s26, s14, $0xb8;
	[tilespmem:$0x1E800] =	vst v63  }
0x8d: {  	_ =	swait.ge [sflag:s17], $0x4000  }
0x8e: {  	[sflag:s17] =	ssyncset.done $0x0  }
0x8f: {  	s29 =	sadd.s32 $0x1400, s25;
	[sflag:s17] =	ssyncadd.s32 $0xFFFFC000  }
0x90: {  	[spmem:s1] =	stream.indirect.scatter.add.f32 [tilespmem:s15], [sflag:$0x3], $0x80, s29, s14, $0xb8;
	[tilespmem:$0x1E800] =	vst v63  }
0x91: {  	_ =	swait.ge [sflag:s12], $0x4000  }
0x92: {  	[sflag:s12] =	ssyncset.done $0x0  }
0x93: {  	s30 =	sadd.s32 $0x100, s25;
	[sflag:s12] =	ssyncadd.s32 $0xFFFFC000  }
0x94: {  	[tilespmem:s15], [sflag:$0x1] =	stream.indirect.gather [hbm4b:s4+s14], $0x80, s30, s14, $0xb8;
	[tilespmem:$0x1E800] =	vst v63  }
0x95: {  	_ =	swait.ge [sflag:s18], $0x4000  }
0x96: {  	[sflag:s18] =	ssyncset.done $0x0  }
0x97: {  	s31 =	sadd.s32 $0x1480, s25;
	[sflag:s18] =	ssyncadd.s32 $0xFFFFC000  }
0x98: {  	[spmem:s1] =	stream.indirect.scatter.add.f32 [tilespmem:s16], [sflag:$0x3], $0x80, s31, s14, $0xb8;
	[tilespmem:$0x1E800] =	vst v63  }
0x99: {  	_ =	swait.ge [sflag:s12], $0x4000  }
0x9a: {  	[sflag:s12] =	ssyncset.done $0x0  }
0x9b: {  	[sflag:s12] =	ssyncadd.s32 $0xFFFFC000  }
0x9c: {  	[tilespmem:s16], [sflag:$0x2] =	stream.indirect.gather [hbm4b:s4+s14], $0x80, s19, s14, $0xb8;
	[tilespmem:$0x1E800] =	vst v63  }
0x9d: {  	_ =	swait.ge [sflag:s17], $0x4000  }
0x9e: {  	[sflag:s17] =	ssyncset.done $0x0  }
0x9f: {  	[sflag:s17] =	ssyncadd.s32 $0xFFFFC000  }
0xa0: {  	[spmem:s1] =	stream.indirect.scatter.add.f32 [tilespmem:s15], [sflag:$0x3], $0x80, s20, s14, $0xb8;
	[tilespmem:$0x1E800] =	vst v63  }
0xa1: {  	_ =	swait.ge [sflag:s12], $0x4000  }
0xa2: {  	[sflag:s12] =	ssyncset.done $0x0  }
0xa3: {  	[sflag:s12] =	ssyncadd.s32 $0xFFFFC000  }
0xa4: {  	_ =	swait.ge [sflag:s18], $0x4000  }
0xa5: {  	[sflag:s18] =	ssyncset.done $0x0  }
0xa6: {  	[sflag:s18] =	ssyncadd.s32 $0xFFFFC000  }
0xa7: {  	[spmem:s1] =	stream.indirect.scatter.add.f32 [tilespmem:s16], [sflag:$0x3], $0x80, s21, s14, $0xb8;
	[tilespmem:$0x1E800] =	vst v63  }
0xa8: {  	_ =	swait.ge [sflag:s12], $0x4000  }
0xa9: {  	s24 =	sadd.s32 $0x1, s24;
	[sflag:s12] =	ssyncset.done $0x0  }
0xaa: {  	p0 =	sne.s32 s24, s10;
	[sflag:s12] =	ssyncadd.s32 $0xFFFFC000  }
.Ltmp2:
0xab: {  	[bflag:$0x0] =	sbarrier.arrive $0xFFFF;
	(pc) =	sbr.rel @p0 .LBB2_1-.Ltmp2, $4  }
0xac: {  	[hbm:s9], [sflag:s6] =	dma.local [spmem:s11], $0x2800  }
0xad: {  	_ =	swait.ge [sflag:s12], $0x2800  }
0xae: {  	[sflag:s12] =	ssyncset.done $0x0  }
0xaf: {  	[sflag:s12] =	ssyncadd.s32 $0xFFFFD800  }
0xb0: {  	_ =	sfence.sel $0x180000  }
0xb1: {  	[bflag:$0x0] =	sbarrier.arrive $0xFFFF  }
0xb2: {  	p0 =	sne.s32 s2, $0x0;
	_ =	strace $0x9000004D  }
0xb3: {  	s0 =	sadd.s32 @!p0 $0x100000, s0;
	[bflag:$0x2] =	sbarrier.arrive $0xFFFF  }
0xb4: {  	[sflag:s0] =	ssyncadd.tile.s32 @!p0 $0x1;
	_ =	shalt  }
.Lfunc_end2:
_tile_overlayer_lowered:
.L_overlay_start_2:
0xb5: {  	(tag) =	ssettag $0x2  }
0xb6: {  	s0 =	rddreg [dreg:$0x0];
	s2 =	stileid.u32  }
0xb7: {  	s1 =	rddreg [dreg:$0x1];
	p0 =	sne.s32 s2, $0x0  }
0xb8: {  	s3 =	rddreg [dreg:$0x2];
	[bflag:$0x3] =	sbarrier.arrive $0xFFFF;
	s2 =	simm.s32 @!p0 $0x1C03  }
0xb9: {  	[timem:s3], [sflag:s2] =	dma.local @!p0 [hbm:s0], s1  }
0xba: {  	s0 =	simm.s32 @!p0 $0x3  }
0xbb: {  	_ =	swait.ge @!p0 [sflag:s0], s1  }
0xbc: {  	s1 =	ssub.s32 @!p0 $0x0, s1;
	[sflag:s0] =	ssyncset.done @!p0 $0x0  }
0xbd: {  	[sflag:s0] =	ssyncadd.s32 @!p0 s1  }
0xbe: {  	[bflag:$0x3] =	sbarrier.arrive $0xFFFF  }
0xbf: {  	_ =	shalt  }

// kernel: kernel.8.cloned.1.call-start
scs
__scs_entry_jumppad:
0x0: {  	(pc) =	sbr.rel $0x88, $3  }
0x1: {  	(tag) =	ssettag $0x0;
	lr =	simm.s32 $0x1  }
0x2: {  	[smem:$0x3F9A] =	sst lr;
	_ =	strace $0xD0000000  }
0x3: {  	_ = 	snop  }
0x4: {  	_ = 	snop  }
0x5: {  	_ = 	snop  }
0x6: {  	_ = 	snop  }
0x7: {  	_ = 	snop  }
__scs_overlays_trampoline_lowered:
0x8: {  	[smem:$0x3FA9] =	sst s0  }
0x9: {  	[smem:$0x3FAA] =	sst s1  }
0xa: {  	[smem:$0x3FAB] =	sst s2  }
0xb: {  	[smem:$0x3FAC] =	sst s3  }
0xc: {  	[smem:$0x3FAD] =	sst s4  }
0xd: {  	[smem:$0x3FAE] =	sst s5  }
0xe: {  	[smem:$0x3FAF] =	sst s6  }
0xf: {  	[smem:$0x3FB0] =	sst s7  }
0x10: {  	[smem:$0x3FB1] =	sst s8  }
0x11: {  	[smem:$0x3FB2] =	sst s9;
	s0 =	simm.s32 @!p0 $0x0  }
0x12: {  	s1 =	sld [smem:$0x3F98];
	s0 =	simm.s32 @p0 $0x1  }
0x13: {  	[smem:$0x3FB3] =	sst s0;
	s0 =	simm.s32 @!p1 $0x0  }
0x14: {  	s2 =	sld [smem:$0x3F97];
	s0 =	simm.s32 @p1 $0x1  }
0x15: {  	[smem:$0x3FB4] =	sst s0;
	s0 =	simm.s32 @!p2 $0x0  }
0x16: {  	s3 =	sld [smem:$0x3FDB];
	s0 =	simm.s32 @p2 $0x1  }
0x17: {  	s4 =	simm.s32 $0x1BF5;
	[smem:$0x3FB6] =	sst s0  }
0x18: {  	s0 =	sld [smem:$0x3F99];
	_ =	swait.ge [sflag:s4], $0x0  }
0x19: {  	s7 =	sld [smem:$0x3F9A]  }
0x1a: {  	s8 =	sadd.s32 $0xFFFFE003, lr  }
0x1b: {  	s9 =	sadd.s32 $0xFFFFFEF7, lr;
	s5 =	simm.s32 $0xFFFFFFFF;
	p2 =	slt.u32 s8, $0xFFFFF086  }
0x1c: {  	p1 =	slt.u32 s9, $0xF7A;
	s5 =	simm.s32 @!p2 $0x0  }
0x1d: {  	s5 =	simm.s32 @p1 $0x1;
	p0 =	seq.s32 s7, s2  }
0x1e: {  	s7 =	smul.u32 @!p0 $0xF7A, s2;
	p2 =	seq.s32 @!p0 s5, $0x0  }
0x1f: {  	s9 =	smul.u32 $0xF7A, s1;
	s8 =	simm.s32 @!p0 $0x1BF5;
	p2 =	por !p2, p0  }
0x20: {  	[sflag:s8] =	ssyncset.s32 @!p0 $0xFFFFF086;
	s6 =	sadd.s32 @!p0 s3, s7;
	s7 =	simm.s32 @!p0 $0x108  }
0x21: {  	s3 =	sadd.s32 s3, s9;
	s6 =	sadd.s32 @!p0 $0x88, s6;
	s7 =	simm.s32 @p2 $0x1082  }
0x22: {  	[simem:s7], [sflag:s8] =	dma.local @!p0 [hbm:s6], $0xF7A  }
0x23: {  	s9 =	sor.u32 $0xD0000000, s2;
	s6 =	simm.s32 $0x108;
	_ =	swait.ge @!p0 [sflag:s8], $0x0  }
0x24: {  	s3 =	sadd.s32 $0x88, s3;
	s6 =	simm.s32 @!p1 $0x1082;
	[sflag:s4] =	ssyncset.s32 $0xFFFFF086  }
0x25: {  	[simem:s6], [sflag:s4] =	dma.local [hbm:s3], $0xF7A  }
0x26: {  	[smem:$0x3F9A] =	sst s1;
	(tag) =	ssettag s2;
	_ =	strace s9  }
0x27: {  	s1 =	sld [smem:$0x3FAA]  }
0x28: {  	s2 =	sld [smem:$0x3FAB]  }
0x29: {  	s4 =	sld [smem:$0x3FAD]  }
0x2a: {  	p0 =	seq.s32 s5, $0x0;
	s5 =	sld [smem:$0x3FAE]  }
0x2b: {  	s6 =	sld [smem:$0x3FAF]  }
0x2c: {  	s7 =	sld [smem:$0x3FB0]  }
0x2d: {  	s3 =	simm.s32 $0x108;
	s8 =	sld [smem:$0x3FB1]  }
0x2e: {  	s3 =	simm.s32 @!p0 $0x1082;
	s9 =	sld [smem:$0x3FB2]  }
0x2f: {  	lr =	sadd.s32 s0, s3;
	s0 =	sld [smem:$0x3FA9]  }
0x30: {  	s3 =	sld [smem:$0x3FAC]  }
0x31: {  	[smem:$0x3FB5] =	sst s10  }
0x32: {  	s10 =	sld [smem:$0x3FB3];
	_ =	sdelay $0x3  }
0x33: {  	p0 =	seq.s32 s10, $0x1;
	s10 =	sld [smem:$0x3FB5];
	_ =	sdelay $0x3  }
0x34: {  	[smem:$0x3FB5] =	sst s10  }
0x35: {  	s10 =	sld [smem:$0x3FB4];
	_ =	sdelay $0x3  }
0x36: {  	p1 =	seq.s32 s10, $0x1;
	s10 =	sld [smem:$0x3FB5];
	_ =	sdelay $0x3  }
0x37: {  	[smem:$0x3FB5] =	sst s10  }
0x38: {  	s10 =	sld [smem:$0x3FB6]  }
0x39: {  	_ = 	snop;
	(pc) =	sbr.ind lr, $3  }
0x3a: {  	_ = 	snop  }
0x3b: {  	_ = 	snop  }
0x3c: {  	p2 =	seq.s32 s10, $0x1;
	s10 =	sld [smem:$0x3FB5]  }
0x3d: {  	_ =	shalt  }
0x3e: {  	_ =	shalt  }
0x3f: {  	_ =	shalt  }
0x40: {  	_ =	shalt  }
0x41: {  	_ =	shalt  }
0x42: {  	_ =	shalt  }
0x43: {  	_ =	shalt  }
0x44: {  	_ =	shalt  }
0x45: {  	_ =	shalt  }
0x46: {  	_ =	shalt  }
0x47: {  	_ =	shalt  }
0x48: {  	_ =	shalt  }
0x49: {  	_ =	shalt  }
0x4a: {  	_ =	shalt  }
0x4b: {  	_ =	shalt  }
0x4c: {  	_ =	shalt  }
0x4d: {  	_ =	shalt  }
0x4e: {  	_ =	shalt  }
0x4f: {  	_ =	shalt  }
0x50: {  	_ =	shalt  }
0x51: {  	_ =	shalt  }
0x52: {  	_ =	shalt  }
0x53: {  	_ =	shalt  }
0x54: {  	_ =	shalt  }
0x55: {  	_ =	shalt  }
0x56: {  	_ =	shalt  }
0x57: {  	_ =	shalt  }
0x58: {  	_ =	shalt  }
0x59: {  	_ =	shalt  }
0x5a: {  	_ =	shalt  }
0x5b: {  	_ =	shalt  }
0x5c: {  	_ =	shalt  }
0x5d: {  	_ =	shalt  }
0x5e: {  	_ =	shalt  }
0x5f: {  	_ =	shalt  }
0x60: {  	_ =	shalt  }
0x61: {  	_ =	shalt  }
0x62: {  	_ =	shalt  }
0x63: {  	_ =	shalt  }
0x64: {  	_ =	shalt  }
0x65: {  	_ =	shalt  }
0x66: {  	_ =	shalt  }
0x67: {  	_ =	shalt  }
0x68: {  	_ =	shalt  }
0x69: {  	_ =	shalt  }
0x6a: {  	_ =	shalt  }
0x6b: {  	_ =	shalt  }
0x6c: {  	_ =	shalt  }
0x6d: {  	_ =	shalt  }
0x6e: {  	_ =	shalt  }
0x6f: {  	_ =	shalt  }
0x70: {  	_ =	shalt  }
0x71: {  	_ =	shalt  }
0x72: {  	_ =	shalt  }
0x73: {  	_ =	shalt  }
0x74: {  	_ =	shalt  }
0x75: {  	_ =	shalt  }
0x76: {  	_ =	shalt  }
0x77: {  	_ =	shalt  }
0x78: {  	_ =	shalt  }
0x79: {  	_ =	shalt  }
0x7a: {  	_ =	shalt  }
0x7b: {  	_ =	shalt  }
0x7c: {  	_ =	shalt  }
0x7d: {  	_ =	shalt  }
0x7e: {  	_ =	shalt  }
0x7f: {  	_ =	shalt  }
0x80: {  	_ =	shalt  }
0x81: {  	_ =	shalt  }
0x82: {  	_ =	shalt  }
0x83: {  	_ =	shalt  }
0x84: {  	_ =	shalt  }
0x85: {  	_ =	shalt  }
0x86: {  	_ =	shalt  }
0x87: {  	_ =	shalt  }
.Lfunc_end0:
.L_simem_size_0:
called_computation_lowered:
.L_overlay_start_0:
0x88: {  	s2 =	sld [smem:$0x3FD9]  }
0x89: {  	s3 =	sld [smem:$0x3FFE];
	_ =	sdelay $0x1  }
0x8a: {  	s1 =	srdreg.scid  }
0x8b: {  	s0 =	sand.u32 $0x1, s1  }
0x8c: {  	s16 =	sshll.u32 s0, $0xA;
	s2 =	sadd.s32 s3, s2  }
0x8d: {  	s2 =	sadd.s32 s2, s16  }
0x8e: {  	[smem:$0x3FC1] =	sst s2  }
0x8f: {  	_ = 	snop  }
0x90: {  	(tm) =	ssettm $0x1  }
0x91: {  	s17 =	sld [smem:$0x3FFB];
	_ =	sdelay $0x3  }
0x92: {  	_ =	strace s17  }
0x93: {  	s2 =	sld [smem:$0x3FFC];
	_ =	sdelay $0x3  }
0x94: {  	_ =	strace s2  }
0x95: {  	s2 =	sld [smem:$0x3FFD];
	_ =	sdelay $0x3  }
0x96: {  	_ =	strace s2  }
0x97: {  	_ =	strace $0x8FFFFFFF  }
0x98: {  	s18 =	sld [smem:$0x3FDB];
	_ =	sdelay $0x1  }
0x99: {  	s19 =	simm.s32 $_scs_section_size  }
0x9a: {  	s4 =	simm.s32 $_size__tile_overlayer_lowered;
	s5 =	simm.s32 $_tile_overlayer_lowered  }
0x9b: {  	s22 =	simm.s32 $0x1BFF;
	s21 =	sshll.u32 s5, $0x1;
	s2 =	sadd.s32 s19, s18  }
0x9c: {  	s6 =	simm.s32 $0x0;
	s20 =	sshll.u32 s4, $0x1;
	s4 =	sadd.s32 s21, s2  }
0x9d: {  	[timem:s6], [sflag:s22] =	dma.local [hbm:s4], s20  }
0x9e: {  	_ =	swait.ge [sflag:s22], s20  }
0x9f: {  	s3 =	ssub.s32 $0x0, s20;
	[sflag:s22] =	ssyncset.done $0x0  }
0xa0: {  	[sflag:s22] =	ssyncadd.s32 s3;
	_ =	sdelay $0x1  }
0xa1: {  	s23 =	simm.s32 $0x1B8B  }
0xa2: {  	_ =	swait.ge [sflag:s23], $0x1  }
0xa3: {  	[sflag:s23] =	ssyncset.done $0x0  }
0xa4: {  	s25 =	simm.s32 $0x1B8E;
	s24 =	sld [smem:$0x3FFE];
	[sflag:s23] =	ssyncadd.s32 $0xFFFFFFFF  }
0xa5: {  	s26 =	simm.s32 $execute0_lowered;
	[smem:$0x3FD2] =	sst s25  }
0xa6: {  	s4 =	sshll.u32 s26, $0x1;
	_ =	strace $0x80000046;
	[dreg:$0x1] =	wrdreg $0xFFFFFFFF  }
0xa7: {  	s28 =	simm.s32 $_size_execute0_lowered;
	s2 =	sadd.s32 s2, s4;
	[dreg:$0x0] =	wrdreg $0x0  }
0xa8: {  	s4 =	sshll.u32 s28, $0x1;
	[dreg:$0x2] =	wrdreg s2  }
0xa9: {  	[dreg:$0x3] =	wrdreg s4  }
0xaa: {  	[dreg:$0x4] =	wrdreg $0xC0  }
0xab: {  	_ =	task [dreg:s6], $0x5FFFF  }
0xac: {  	[dreg:$0x1] =	wrdreg $0xFFFFFFFF  }
0xad: {  	[dreg:$0x0] =	wrdreg $0x60  }
0xae: {  	[dreg:$0x2] =	wrdreg s24  }
0xaf: {  	[dreg:$0x3] =	wrdreg $0x68000  }
0xb0: {  	[dreg:$0x4] =	wrdreg $0x9  }
0xb1: {  	_ =	task.clear_ibuf [dreg:s6], $0x5FFFF;
	_ =	strace $0x90000046  }
0xb2: {  	s29 =	simm.s32 $0x9;
	_ =	strace $0x80000048  }
0xb3: {  	_ =	swait.ge [sflag:s29], $0x1  }
0xb4: {  	[sflag:s29] =	ssyncadd.s32 $0xFFFFFFFF  }
0xb5: {  	_ =	strace $0x90000048  }
0xb6: {  	_ =	sfence  }
0xb7: {  	s30 =	sld [smem:$0x0];
	_ =	sdelay $0x2  }
0xb8: {  	s31 =	sshll.u32 s1, $0xD;
	s1 =	sshrl.u32 s1, $0x2  }
0xb9: {  	s3 =	sand.u32 $0x4000, s31;
	s1 =	sadd.s32 s1, s30  }
0xba: {  	s0 =	sor.u32 s3, s0;
	s1 =	sshll.u32 s1, $0x11  }
0xbb: {  	s0 =	sor.u32 s1, s0  }
0xbc: {  	s0 =	sadd.s32 $0x8F2B, s0  }
0xbd: {  	[sflag:s0] =	ssyncadd.remote.s32 $0x1  }
0xbe: {  	_ =	sfence.sel $0xFFFF  }
0xbf: {  	[dreg:$0x0] =	wrdreg $0xFFFFFFFF;
	(pc) =	sbr.abs _section_cstart, $3  }
0xc0: {  	[dreg:$0x1] =	wrdreg $0xFFFFFFFF  }
0xc1: {  	_ =	task.clear_ibuf [dreg:s6], $0x2FFFF;
	_ =	strace $0x9FFFFFFF  }
0xc2: {  	(tm) =	ssettm $0x7FFFFFFF  }
0xc3: {  	_ =	shalt  }
tec
execute0_lowered:
.L_overlay_start_1:
0x0: {  	(tag) =	ssettag $0x1  }
0x1: {  	s1 =	srdreg.scid  }
0x2: {  	s0 =	stileid.u32;
	s5 =	rddreg [dreg:$0x0]  }
0x3: {  	s2 =	rddreg [dreg:$0x1];
	s3 =	simm.s32 $0x0;
	s12 =	simm.s32 $0x2800  }
0x4: {  	s13 =	simm.s32 $0x80;
	s14 =	simm.s32 $0x1;
	s15 =	simm.s32 $0x0  }
0x5: {  	s4 =	sand.u32 $0x1, s1;
	s1 =	rddreg [dreg:$0x2];
	s9 =	smul.u32 $0x280, s0  }
0x6: {  	s24 =	sshll.u32 s0, $0x1;
	[smem:$0x7FF] =	sst s3;
	s25 =	smul.u32 $0x50000, s0  }
0x7: {  	s31 =	sshll.u32 s0, $0x6;
	s6 =	sor.u32 s4, s24;
	s8 =	smul.u32 $0x2800, s4  }
0x8: {  	_ =	strace $0x80000047;
	s4 =	ssub.s32 $0x2, s4;
	s7 =	smul.u32 $0x500, s6  }
0x9: {  	s6 =	sshll.u32 s6, $0xB;
	s28 =	sshrl.u32 s4, $0x1;
	s29 =	sshrl.u32 s25, $0x2  }
0xa: {  	s8 =	sadd.s32 s9, s8;
	s10 =	sadd.s32 s6, s5;
	s30 =	ssub.s32 s4, s28  }
0xb: {  	s11 =	sadd.s32 s29, s2;
	s7 =	sadd.s32 s7, s5;
	s26 =	sshll.u32 s8, $0x4  }
0xc: {  	s9 =	smax.u32 s30, $0x1;
	s8 =	sadd.s32 s26, s5;
	s5 =	sor.u32 $0x1C02, s31  }
0xd: {  	s6 =	sadd.s32 $0x2E00, s7;
	s7 =	sadd.s32 $0x66E00, s10;
	s10 =	sshrl.u32 s11, $0x3  }
0xe: {  	s11 =	simm.s32 $0x2;
	s4 =	sadd.s32 $0x16E00, s8;
	s8 =	sadd.s32 $0x76E00, s8  }
.LBB2_1:
0xf: {  	[spmem:s10], [sflag:s5] =	dma.local [hbm:s4], $0x2800  }
0x10: {  	_ =	swait.ge [sflag:s11], $0x2800  }
0x11: {  	[sflag:s11] =	ssyncset.done $0x0  }
0x12: {  	[sflag:s11] =	ssyncadd.s32 $0xFFFFD800  }
0x13: {  	[tilespmem:s3], [sflag:$0x2] =	stream.linear.gather [hbm4b:s6+s3], $0x2800, $0x38;
	[tilespmem:$0x1A800] =	vst v63  }
0x14: {  	_ =	swait.ge [sflag:s11], $0x2800  }
0x15: {  	[sflag:s11] =	ssyncset.done $0x0  }
0x16: {  	[sflag:s11] =	ssyncadd.s32 $0xFFFFD800  }
0x17: {  	[tilespmem:s12], [sflag:$0x2] =	stream.linear.gather [hbm4b:s7+s3], $0x4000, $0x38;
	[tilespmem:$0x1A800] =	vst v63  }
0x18: {  	_ =	swait.ge [sflag:s11], $0x4000  }
0x19: {  	[sflag:s11] =	ssyncset.done $0x0  }
0x1a: {  	[sflag:s11] =	ssyncadd.s32 $0xFFFFC000  }
0x1b: {  	s16 =	simm.s32 $0x0;
	[bflag:$0x0] =	sbarrier.arrive $0xFFFF  }
0x1c: {  	[spmem:s2] =	stream.indirect.scatter.add.f32 [tilespmem:s12], [sflag:$0x1], $0x80, s16, s13, $0xb8;
	[tilespmem:$0x1A800] =	vst v63  }
0x1d: {  	s24 =	simm.s32 $0x80  }
0x1e: {  	[spmem:s2] =	stream.indirect.scatter.add.f32 [tilespmem:s12], [sflag:$0x1], $0x80, s24, s13, $0xb8;
	[tilespmem:$0x1A800] =	vst v63  }
0x1f: {  	s25 =	simm.s32 $0x100  }
0x20: {  	[spmem:s2] =	stream.indirect.scatter.add.f32 [tilespmem:s12], [sflag:$0x1], $0x80, s25, s13, $0xb8;
	[tilespmem:$0x1A800] =	vst v63  }
0x21: {  	s26 =	simm.s32 $0x180  }
0x22: {  	[spmem:s2] =	stream.indirect.scatter.add.f32 [tilespmem:s12], [sflag:$0x1], $0x80, s26, s13, $0xb8;
	[tilespmem:$0x1A800] =	vst v63  }
0x23: {  	s28 =	simm.s32 $0x200  }
0x24: {  	[spmem:s2] =	stream.indirect.scatter.add.f32 [tilespmem:s12], [sflag:$0x1], $0x80, s28, s13, $0xb8;
	[tilespmem:$0x1A800] =	vst v63  }
0x25: {  	s29 =	simm.s32 $0x280  }
0x26: {  	[spmem:s2] =	stream.indirect.scatter.add.f32 [tilespmem:s12], [sflag:$0x1], $0x80, s29, s13, $0xb8;
	[tilespmem:$0x1A800] =	vst v63  }
0x27: {  	s30 =	simm.s32 $0x300  }
0x28: {  	[spmem:s2] =	stream.indirect.scatter.add.f32 [tilespmem:s12], [sflag:$0x1], $0x80, s30, s13, $0xb8;
	[tilespmem:$0x1A800] =	vst v63  }
0x29: {  	s31 =	simm.s32 $0x380  }
0x2a: {  	[spmem:s2] =	stream.indirect.scatter.add.f32 [tilespmem:s12], [sflag:$0x1], $0x80, s31, s13, $0xb8;
	[tilespmem:$0x1A800] =	vst v63  }
0x2b: {  	_ =	swait.ge [sflag:s14], $0x4000  }
0x2c: {  	[sflag:s14] =	ssyncset.done $0x0  }
0x2d: {  	[sflag:s14] =	ssyncadd.s32 $0xFFFFC000  }
0x2e: {  	_ =	swait.ge [sflag:s14], $0x4000  }
0x2f: {  	[sflag:s14] =	ssyncset.done $0x0  }
0x30: {  	[sflag:s14] =	ssyncadd.s32 $0xFFFFC000  }
0x31: {  	_ =	swait.ge [sflag:s14], $0x4000  }
0x32: {  	[sflag:s14] =	ssyncset.done $0x0  }
0x33: {  	[sflag:s14] =	ssyncadd.s32 $0xFFFFC000  }
0x34: {  	_ =	swait.ge [sflag:s14], $0x4000  }
0x35: {  	[sflag:s14] =	ssyncset.done $0x0  }
0x36: {  	[sflag:s14] =	ssyncadd.s32 $0xFFFFC000  }
0x37: {  	_ =	swait.ge [sflag:s14], $0x4000  }
0x38: {  	[sflag:s14] =	ssyncset.done $0x0  }
0x39: {  	[sflag:s14] =	ssyncadd.s32 $0xFFFFC000  }
0x3a: {  	_ =	swait.ge [sflag:s14], $0x4000  }
0x3b: {  	[sflag:s14] =	ssyncset.done $0x0  }
0x3c: {  	[sflag:s14] =	ssyncadd.s32 $0xFFFFC000  }
0x3d: {  	_ =	swait.ge [sflag:s14], $0x4000  }
0x3e: {  	[sflag:s14] =	ssyncset.done $0x0  }
0x3f: {  	[sflag:s14] =	ssyncadd.s32 $0xFFFFC000  }
0x40: {  	_ =	swait.ge [sflag:s14], $0x4000  }
0x41: {  	s18 =	simm.s32 $0x2000;
	s16 =	simm.s32 $0x1000;
	[sflag:s14] =	ssyncset.done $0x0  }
.LBB2_2:
0x42: {  	s19 =	sshra.s32 s16, $0x2  }
0x43: {  	[sflag:s14] =	ssyncadd.s32 $0xFFFFC000;
	s16 =	smov.u32 s18;
	s17 =	sadd.s32 $0x1000, s18  }
0x44: {  	[spmem:s2] =	stream.indirect.scatter.add.f32 [tilespmem:s12], [sflag:$0x1], $0x80, s19, s13, $0xb8;
	[tilespmem:$0x1A800] =	vst v63  }
0x45: {  	p0 =	sne.s32 s18, $0x9000;
	s18 =	sadd.s32 $0x80, s19  }
0x46: {  	[spmem:s2] =	stream.indirect.scatter.add.f32 [tilespmem:s12], [sflag:$0x1], $0x80, s18, s13, $0xb8;
	[tilespmem:$0x1A800] =	vst v63  }
0x47: {  	s18 =	sadd.s32 $0x100, s19  }
0x48: {  	[spmem:s2] =	stream.indirect.scatter.add.f32 [tilespmem:s12], [sflag:$0x1], $0x80, s18, s13, $0xb8;
	[tilespmem:$0x1A800] =	vst v63  }
0x49: {  	s18 =	sadd.s32 $0x180, s19  }
0x4a: {  	[spmem:s2] =	stream.indirect.scatter.add.f32 [tilespmem:s12], [sflag:$0x1], $0x80, s18, s13, $0xb8;
	[tilespmem:$0x1A800] =	vst v63  }
0x4b: {  	s18 =	sadd.s32 $0x200, s19  }
0x4c: {  	[spmem:s2] =	stream.indirect.scatter.add.f32 [tilespmem:s12], [sflag:$0x1], $0x80, s18, s13, $0xb8;
	[tilespmem:$0x1A800] =	vst v63  }
0x4d: {  	s18 =	sadd.s32 $0x280, s19  }
0x4e: {  	[spmem:s2] =	stream.indirect.scatter.add.f32 [tilespmem:s12], [sflag:$0x1], $0x80, s18, s13, $0xb8;
	[tilespmem:$0x1A800] =	vst v63  }
0x4f: {  	s18 =	sadd.s32 $0x300, s19  }
0x50: {  	[spmem:s2] =	stream.indirect.scatter.add.f32 [tilespmem:s12], [sflag:$0x1], $0x80, s18, s13, $0xb8;
	[tilespmem:$0x1A800] =	vst v63  }
0x51: {  	s18 =	sadd.s32 $0x380, s19  }
0x52: {  	[spmem:s2] =	stream.indirect.scatter.add.f32 [tilespmem:s12], [sflag:$0x1], $0x80, s18, s13, $0xb8;
	[tilespmem:$0x1A800] =	vst v63  }
0x53: {  	_ =	swait.ge [sflag:s14], $0x4000  }
0x54: {  	[sflag:s14] =	ssyncset.done $0x0  }
0x55: {  	[sflag:s14] =	ssyncadd.s32 $0xFFFFC000  }
0x56: {  	_ =	swait.ge [sflag:s14], $0x4000  }
0x57: {  	[sflag:s14] =	ssyncset.done $0x0  }
0x58: {  	[sflag:s14] =	ssyncadd.s32 $0xFFFFC000  }
0x59: {  	_ =	swait.ge [sflag:s14], $0x4000  }
0x5a: {  	[sflag:s14] =	ssyncset.done $0x0  }
0x5b: {  	[sflag:s14] =	ssyncadd.s32 $0xFFFFC000  }
0x5c: {  	_ =	swait.ge [sflag:s14], $0x4000  }
0x5d: {  	[sflag:s14] =	ssyncset.done $0x0  }
0x5e: {  	[sflag:s14] =	ssyncadd.s32 $0xFFFFC000  }
0x5f: {  	_ =	swait.ge [sflag:s14], $0x4000  }
0x60: {  	[sflag:s14] =	ssyncset.done $0x0  }
0x61: {  	[sflag:s14] =	ssyncadd.s32 $0xFFFFC000  }
0x62: {  	_ =	swait.ge [sflag:s14], $0x4000  }
0x63: {  	[sflag:s14] =	ssyncset.done $0x0  }
0x64: {  	[sflag:s14] =	ssyncadd.s32 $0xFFFFC000  }
.Ltmp0:
0x65: {  	_ =	swait.ge [sflag:s14], $0x4000;
	(pc) =	sbr.rel @p0 .LBB2_2-.Ltmp0, $4  }
0x66: {  	[sflag:s14] =	ssyncset.done $0x0  }
0x67: {  	[sflag:s14] =	ssyncadd.s32 $0xFFFFC000  }
0x68: {  	_ =	swait.ge [sflag:s14], $0x4000  }
0x69: {  	s18 =	smov.u32 s17;
	[sflag:s14] =	ssyncset.done $0x0  }
0x6a: {  	s16 =	sshra.s32 s16, $0x2;
	[sflag:s14] =	ssyncadd.s32 $0xFFFFC000  }
0x6b: {  	[spmem:s2] =	stream.indirect.scatter.add.f32 [tilespmem:s12], [sflag:$0x1], $0x80, s16, s13, $0xb8;
	[tilespmem:$0x1A800] =	vst v63  }
0x6c: {  	s17 =	sadd.s32 $0x80, s16  }
0x6d: {  	[spmem:s2] =	stream.indirect.scatter.add.f32 [tilespmem:s12], [sflag:$0x1], $0x80, s17, s13, $0xb8;
	[tilespmem:$0x1A800] =	vst v63  }
0x6e: {  	s26 =	sadd.s32 $0x100, s16  }
0x6f: {  	[spmem:s2] =	stream.indirect.scatter.add.f32 [tilespmem:s12], [sflag:$0x1], $0x80, s26, s13, $0xb8;
	[tilespmem:$0x1A800] =	vst v63  }
0x70: {  	s28 =	sadd.s32 $0x180, s16  }
0x71: {  	[spmem:s2] =	stream.indirect.scatter.add.f32 [tilespmem:s12], [sflag:$0x1], $0x80, s28, s13, $0xb8;
	[tilespmem:$0x1A800] =	vst v63  }
0x72: {  	s29 =	sadd.s32 $0x200, s16  }
0x73: {  	[spmem:s2] =	stream.indirect.scatter.add.f32 [tilespmem:s12], [sflag:$0x1], $0x80, s29, s13, $0xb8;
	[tilespmem:$0x1A800] =	vst v63  }
0x74: {  	s30 =	sadd.s32 $0x280, s16  }
0x75: {  	[spmem:s2] =	stream.indirect.scatter.add.f32 [tilespmem:s12], [sflag:$0x1], $0x80, s30, s13, $0xb8;
	[tilespmem:$0x1A800] =	vst v63  }
0x76: {  	s31 =	sadd.s32 $0x300, s16  }
0x77: {  	[spmem:s2] =	stream.indirect.scatter.add.f32 [tilespmem:s12], [sflag:$0x1], $0x80, s31, s13, $0xb8;
	[tilespmem:$0x1A800] =	vst v63  }
0x78: {  	s16 =	sadd.s32 $0x380, s16  }
0x79: {  	[spmem:s2] =	stream.indirect.scatter.add.f32 [tilespmem:s12], [sflag:$0x1], $0x80, s16, s13, $0xb8;
	[tilespmem:$0x1A800] =	vst v63  }
0x7a: {  	_ =	swait.ge [sflag:s14], $0x4000  }
0x7b: {  	[sflag:s14] =	ssyncset.done $0x0  }
0x7c: {  	[sflag:s14] =	ssyncadd.s32 $0xFFFFC000  }
0x7d: {  	_ =	swait.ge [sflag:s14], $0x4000  }
0x7e: {  	[sflag:s14] =	ssyncset.done $0x0  }
0x7f: {  	[sflag:s14] =	ssyncadd.s32 $0xFFFFC000  }
0x80: {  	_ =	swait.ge [sflag:s14], $0x4000  }
0x81: {  	[sflag:s14] =	ssyncset.done $0x0  }
0x82: {  	[sflag:s14] =	ssyncadd.s32 $0xFFFFC000  }
0x83: {  	_ =	swait.ge [sflag:s14], $0x4000  }
0x84: {  	[sflag:s14] =	ssyncset.done $0x0  }
0x85: {  	[sflag:s14] =	ssyncadd.s32 $0xFFFFC000  }
0x86: {  	_ =	swait.ge [sflag:s14], $0x4000  }
0x87: {  	[sflag:s14] =	ssyncset.done $0x0  }
0x88: {  	[sflag:s14] =	ssyncadd.s32 $0xFFFFC000  }
0x89: {  	_ =	swait.ge [sflag:s14], $0x4000  }
0x8a: {  	[sflag:s14] =	ssyncset.done $0x0  }
0x8b: {  	[sflag:s14] =	ssyncadd.s32 $0xFFFFC000  }
0x8c: {  	_ =	swait.ge [sflag:s14], $0x4000  }
0x8d: {  	[sflag:s14] =	ssyncset.done $0x0  }
0x8e: {  	[sflag:s14] =	ssyncadd.s32 $0xFFFFC000  }
0x8f: {  	_ =	swait.ge [sflag:s14], $0x4000  }
0x90: {  	s15 =	sadd.s32 $0x1, s15;
	[sflag:s14] =	ssyncset.done $0x0  }
0x91: {  	p0 =	sne.s32 s15, s9;
	[sflag:s14] =	ssyncadd.s32 $0xFFFFC000  }
.Ltmp1:
0x92: {  	[bflag:$0x0] =	sbarrier.arrive $0xFFFF;
	(pc) =	sbr.rel @p0 .LBB2_1-.Ltmp1, $4  }
0x93: {  	[hbm:s8], [sflag:s5] =	dma.local [spmem:s10], $0x2800  }
0x94: {  	_ =	swait.ge [sflag:s11], $0x2800  }
0x95: {  	[sflag:s11] =	ssyncset.done $0x0  }
0x96: {  	[sflag:s11] =	ssyncadd.s32 $0xFFFFD800  }
0x97: {  	_ =	sfence.sel $0x180000  }
0x98: {  	[bflag:$0x0] =	sbarrier.arrive $0xFFFF  }
0x99: {  	p0 =	sne.s32 s0, $0x0;
	_ =	strace $0x90000047  }
0x9a: {  	s0 =	sadd.s32 @!p0 $0x100000, s1;
	[bflag:$0x2] =	sbarrier.arrive $0xFFFF  }
0x9b: {  	[sflag:s0] =	ssyncadd.tile.s32 @!p0 $0x1;
	_ =	shalt  }
.Lfunc_end2:
_tile_overlayer_lowered:
.L_overlay_start_2:
0x9c: {  	(tag) =	ssettag $0x2  }
0x9d: {  	s0 =	rddreg [dreg:$0x0];
	s2 =	stileid.u32  }
0x9e: {  	s1 =	rddreg [dreg:$0x1];
	p0 =	sne.s32 s2, $0x0  }
0x9f: {  	s3 =	rddreg [dreg:$0x2];
	[bflag:$0x3] =	sbarrier.arrive $0xFFFF;
	s2 =	simm.s32 @!p0 $0x1C02  }
0xa0: {  	[timem:s3], [sflag:s2] =	dma.local @!p0 [hbm:s0], s1  }
0xa1: {  	s0 =	simm.s32 @!p0 $0x2  }
0xa2: {  	_ =	swait.ge @!p0 [sflag:s0], s1  }
0xa3: {  	s1 =	ssub.s32 @!p0 $0x0, s1;
	[sflag:s0] =	ssyncset.done @!p0 $0x0  }
0xa4: {  	[sflag:s0] =	ssyncadd.s32 @!p0 s1  }
0xa5: {  	[bflag:$0x3] =	sbarrier.arrive $0xFFFF  }
0xa6: {  	_ =	shalt  }

</sc_bundles>
